<compile_context>
chip_gen: v7x
topology: tpu7x:2x2x1
jax: 0.10.2.dev20260603
libtpu: 0.0.44.dev20260713+nightly
codegen_flags: <defaults>
</compile_context>

<pallas_src>
import functools

import jax
import jax.numpy as jnp
from jax import lax
from jax.experimental import pallas as pl
from jax.experimental.pallas import tpu as pltpu
from jax.experimental.pallas import tpu_sc as plsc

_TWO48 = float(2 ** 48 - 1)
_N = 10000
_E = 320000
_H = 128
_B = 64
_NC = 2
_NS = 16
_NW = _NC * _NS
_EPW = _E // _NW
_CHUNK = 80
_NCHUNK = _EPW // _CHUNK
_NP = 10240
_RPS = _NP // _NS
_HV = _H // 16



def _dot(a, b):
    return jnp.dot(a, b, preferred_element_type=jnp.float32)


def _node_mlp_body(ids_ref, w1_ref, b1_ref, w2_ref, b2_ref, out_ref):
    x0 = jnp.clip(ids_ref[...].astype(jnp.float32) / _TWO48, 0.0, 1.0)
    h = jax.nn.relu(x0 * w1_ref[...] + b1_ref[...])
    out_ref[...] = (
        _dot(h, w2_ref[...])
        + b2_ref[...]
    )


def _edge_mlp_body(a_ref, w1_ref, b1_ref, w2_ref, b2_ref, out_ref):
    h = jax.nn.relu(
        _dot(a_ref[...], w1_ref[...])
        + b1_ref[...]
    )
    out_ref[...] = (
        _dot(h, w2_ref[...])
        + b2_ref[...]
    )


def _update_body(x_ref, agg_ref, w1_ref, b1_ref, w2_ref, b2_ref, out_ref):
    z = x_ref[...] + agg_ref[0] + agg_ref[1]
    h = jax.nn.relu(
        _dot(z, w1_ref[...])
        + b1_ref[...]
    )
    out_ref[...] = jax.nn.relu(
        _dot(h, w2_ref[...])
        + b2_ref[...]
    )


def _pool_head_body(h_ref, batch_ref, depth_ref, w1a_ref, w1b_ref, b1_ref,
                    w2_ref, b2_ref, out_ref):
    h = h_ref[...]
    bt = batch_ref[...]
    gids = lax.broadcasted_iota(jnp.int32, (_N, _B), 1)
    onehot = (bt == gids).astype(jnp.float32)
    hh = h.astype(jnp.bfloat16)
    hl = (h - hh.astype(jnp.float32)).astype(jnp.bfloat16)
    oh = onehot.astype(jnp.bfloat16)

    def dT(u, v):
        return lax.dot_general(u, v, (((0,), (0,)), ((), ())),
                               preferred_element_type=jnp.float32)
    sums = dT(oh, hl) + dT(oh, hh)
    cnts = jnp.sum(onehot, axis=0)[:, None]
    rep = sums / jnp.maximum(cnts, 1.0)
    r1 = jax.nn.relu(
        _dot(rep, w1a_ref[...])
        + depth_ref[...] * w1b_ref[...]
        + b1_ref[...])
    out_ref[...] = (
        _dot(r1, w2_ref[...])
        + b2_ref[...]
    )



def _mp_body(x_hbm, e_hbm, src_hbm, dst_hbm, zeros_hbm, out_hbm,
             idx_v, dst_v, xr_v, ev_v, aggr, sem):
    c = lax.axis_index("c")
    s = lax.axis_index("s")
    wid = s * _NC + c
    base = wid * _EPW

    pltpu.sync_copy(zeros_hbm.at[pl.ds(s * _RPS, _RPS)],
                    aggr.at[pl.ds(s * _RPS, _RPS)])
    plsc.subcore_barrier()

    def chunk_body(k, carry):
        off = base + k * _CHUNK
        pltpu.sync_copy(src_hbm.at[pl.ds(off, _CHUNK)], idx_v)
        pltpu.sync_copy(dst_hbm.at[pl.ds(off, _CHUNK)], dst_v)
        gcp = pltpu.async_copy(x_hbm.at[idx_v], xr_v, sem)
        pltpu.sync_copy(e_hbm.at[pl.ds(off, _CHUNK)], ev_v)
        gcp.wait()

        def row_body(r, rc):
            for hv in range(_HV):
                sl = (r, pl.ds(hv * 16, 16))
                ev_v[sl] = jnp.maximum(xr_v[sl] + ev_v[sl], 0.0)
            return rc
        lax.fori_loop(0, _CHUNK, row_body, 0)

        pltpu.sync_copy(ev_v, aggr.at[dst_v], add=True)
        return carry
    lax.fori_loop(0, _NCHUNK, chunk_body, 0)

    plsc.subcore_barrier()
    pltpu.sync_copy(aggr.at[pl.ds(s * _RPS, _RPS)],
                    out_hbm.at[c, pl.ds(s * _RPS, _RPS)])


_mp_kernel = functools.partial(
    pl.kernel,
    out_type=jax.ShapeDtypeStruct((_NC, _NP, _H), jnp.float32),
    mesh=plsc.VectorSubcoreMesh(core_axis_name="c", subcore_axis_name="s"),
    scratch_types=[
        pltpu.VMEM((_CHUNK,), jnp.int32),
        pltpu.VMEM((_CHUNK,), jnp.int32),
        pltpu.VMEM((_CHUNK, _H), jnp.float32),
        pltpu.VMEM((_CHUNK, _H), jnp.float32),
        pltpu.VMEM_SHARED((_NP, _H), jnp.float32),
        pltpu.SemaphoreType.DMA,
    ],
)(_mp_body)



_UPD_BLK = 2000


def _update_call(x, agg, w1, b1, w2, b2):
    return pl.pallas_call(
        _update_body,
        grid=(_N // _UPD_BLK,),
        in_specs=[
            pl.BlockSpec((_UPD_BLK, _H), lambda i: (i, 0)),
            pl.BlockSpec((_NC, _UPD_BLK, _H), lambda i: (0, i, 0)),

            pl.BlockSpec((_H, _H), lambda i: (0, 0)),
            pl.BlockSpec((1, _H), lambda i: (0, 0)),
            pl.BlockSpec((_H, _H), lambda i: (0, 0)),
            pl.BlockSpec((1, _H), lambda i: (0, 0)),
        ],
        out_specs=pl.BlockSpec((_UPD_BLK, _H), lambda i: (i, 0)),
        out_shape=jax.ShapeDtypeStruct((_N, _H), jnp.float32),
    )(x, agg, w1, b1.reshape(1, _H), w2, b2.reshape(1, _H))


def kernel(s_node_ids, s_edge_index, s_edge_attr, s_batch, depth,
           id_W1, id_b1, id_W2, id_b2, e_W1, e_b1, e_W2, e_b2,
           c1_W1, c1_b1, c1_W2, c1_b2, c2_W1, c2_b1, c2_W2, c2_b2,
           r_W1, r_b1, r_W2, r_b2):
    src = s_edge_index[0].astype(jnp.int32)
    dst = s_edge_index[1].astype(jnp.int32)
    ids2 = s_node_ids.reshape(_N, 1).astype(jnp.int32)

    x = pl.pallas_call(
        _node_mlp_body,
        out_shape=jax.ShapeDtypeStruct((_N, _H), jnp.float32),
    )(ids2, id_W1, id_b1.reshape(1, _H), id_W2, id_b2.reshape(1, _H))

    _EDGE_BLK = 3200
    e = pl.pallas_call(
        _edge_mlp_body,
        grid=(_E // _EDGE_BLK,),
        in_specs=[
            pl.BlockSpec((_EDGE_BLK, 16), lambda i: (i, 0)),
            pl.BlockSpec((16, _H), lambda i: (0, 0)),
            pl.BlockSpec((1, _H), lambda i: (0, 0)),
            pl.BlockSpec((_H, _H), lambda i: (0, 0)),
            pl.BlockSpec((1, _H), lambda i: (0, 0)),
        ],
        out_specs=pl.BlockSpec((_EDGE_BLK, _H), lambda i: (i, 0)),
        out_shape=jax.ShapeDtypeStruct((_E, _H), jnp.float32),
    )(s_edge_attr, e_W1, e_b1.reshape(1, _H), e_W2, e_b2.reshape(1, _H))

    zeros = jnp.zeros((_NP, _H), jnp.float32)

    agg1 = _mp_kernel(x, e, src, dst, zeros)
    h1 = _update_call(x, agg1, c1_W1, c1_b1, c1_W2, c1_b2)

    agg2 = _mp_kernel(h1, e, src, dst, zeros)
    h2 = _update_call(h1, agg2, c2_W1, c2_b1, c2_W2, c2_b2)

    out = pl.pallas_call(
        _pool_head_body,
        out_shape=jax.ShapeDtypeStruct((_B, 1), jnp.float32),
    )(h2, s_batch.reshape(_N, 1).astype(jnp.int32), depth.reshape(_B, 1),
      r_W1[:_H], r_W1[_H:], r_b1.reshape(1, _H), r_W2, r_b2.reshape(1, 1))
    return out[:, 0]

# --- scband reference (transcript-rebuilt; emitter-appended) ---
"""Pipeline reference for scband-onnx-distance-estimator-wrapper-54700703481926 (READ-ONLY COPY).

The authoritative reference and input builder live on the scoring server;
editing this copy changes nothing except your own understanding.
"""

import jax, jax.numpy as jnp
import numpy as np

TWO48 = float(2 ** 48 - 1)
N = 10000
E = 320000
D_EDGE = 16
H = 128
B = 64

def _lin(k, fan_in, fan_out):
    s = 1.0 / np.sqrt(fan_in)
    return jax.random.uniform(k, (fan_in, fan_out), minval=-s, maxval=s, dtype=jnp.float32)

def _bias(k, fan_in, fan_out):
    s = 1.0 / np.sqrt(fan_in)
    return jax.random.uniform(k, (fan_out,), minval=-s, maxval=s, dtype=jnp.float32)

def setup_inputs(seed: int = 0):
    key = jax.random.key(seed)
    ks = jax.random.split(key, 48)
    inp = {}
    inp["s_node_ids"] = jax.random.randint(ks[0], (N,), 0, 1000000)
    inp["s_edge_index"] = jax.random.randint(ks[1], (2, E), 0, N)
    inp["s_edge_attr"] = jax.random.normal(ks[2], (E, D_EDGE), dtype=jnp.float32)
    inp["s_batch"] = jnp.sort(jax.random.randint(ks[3], (N,), 0, B))
    inp["depth"] = jax.random.uniform(ks[4], (B,), dtype=jnp.float32)
    names = [("id_W1", 1, H), ("id_W2", H, H), ("e_W1", D_EDGE, H), ("e_W2", H, H), ("c1_W1", H, H), ("c1_W2", H, H), ("c2_W1", H, H), ("c2_W2", H, H), ("r_W1", H + 1, H), ("r_W2", H, 1)]
    i = 5
    for nm, fi, fo in names:
        inp[nm] = _lin(ks[i], fi, fo)
        i += 1
        inp[nm.replace("W", "b")] = _bias(ks[i], fi, fo)
        i += 1
    return inp

def reference(s_node_ids, s_edge_index, s_edge_attr, s_batch, depth, id_W1, id_b1, id_W2, id_b2, e_W1, e_b1, e_W2, e_b2, c1_W1, c1_b1, c1_W2, c1_b2, c2_W1, c2_b1, c2_W2, c2_b2, r_W1, r_b1, r_W2, r_b2):
    # id_mlp on clamped/normalized node ids
    x0 = jnp.clip(s_node_ids.astype(jnp.float32) / TWO48, 0.0, 1.0)[:, None]
    x = jax.nn.relu(x0 @ id_W1 + id_b1) @ id_W2 + id_b2
    # edge_mlp
    e = jax.nn.relu(s_edge_attr @ e_W1 + e_b1) @ e_W2 + e_b2
    src = s_edge_index[0]
    dst = s_edge_index[1]
    def gine(h, W1, b1, W2, b2):
        # GINEConv (eps=0): nn(h + sum_j relu(h_j + e_ji))
        m = jax.nn.relu(h[src] + e)
        aggr = jax.ops.segment_sum(m, dst, num_segments=h.shape[0])
        z = h + aggr
        return jax.nn.relu(z @ W1 + b1) @ W2 + b2
    x = jax.nn.relu(gine(x, c1_W1, c1_b1, c1_W2, c1_b2))
    x = jax.nn.relu(gine(x, c2_W1, c2_b1, c2_W2, c2_b2))
    # ONNX-friendly global mean pool: scatter-sum / scatter-count
    sums = jax.ops.segment_sum(x, s_batch, num_segments=B)
    cnts = jax.ops.segment_sum(jnp.ones((x.shape[0], 1), x.dtype), s_batch, num_segments=B)
    rep = sums / jnp.clip(cnts, 1.0, None)
    rep = jnp.concatenate([rep, depth.reshape(-1, 1)], axis=1)
    out = jax.nn.relu(rep @ r_W1 + r_b1) @ r_W2 + r_b2
    return out[:, 0]

if __name__ == "__main__":
    import jax
    _d = setup_inputs()
    print(jax.jit(kernel)(*tuple(_d.values())))

</pallas_src>

<mosaic_0001>
#map = affine_map<(d0, d1) -> (0, 0)>
#map1 = affine_map<(d0, d1) -> (0)>
#map2 = affine_map<(d0, d1) -> (0, 0, 0)>
module attributes {stable_mosaic.version = 14 : i64} {
  func.func @_mp_body(%arg0: i32, %arg1: i32, %arg2: memref<10000x128xf32, #tpu.memory_space<hbm>>, %arg3: memref<320000x128xf32, #tpu.memory_space<hbm>>, %arg4: memref<320000xi32, #tpu.memory_space<hbm>>, %arg5: memref<320000xi32, #tpu.memory_space<hbm>>, %arg6: memref<10240x128xf32, #tpu.memory_space<hbm>>, %arg7: memref<2x10240x128xf32, #tpu.memory_space<hbm>>, %arg8: memref<80xi32, #tpu.memory_space<vmem>>, %arg9: memref<80xi32, #tpu.memory_space<vmem>>, %arg10: memref<80x128xf32, #tpu.memory_space<vmem>>, %arg11: memref<80x128xf32, #tpu.memory_space<vmem>>, %arg12: memref<10240x128xf32, #tpu.memory_space<vmem_shared>>, %arg13: memref<!tpu.dma_semaphore, #tpu.memory_space<semaphore_mem>>) attributes {dimension_semantics = [#tpu.dimension_semantics<core_parallel>, #tpu.dimension_semantics<subcore_parallel>], iteration_bounds = array<i64: 2, 16>, scalar_prefetch = 0 : i64, scratch_operands = 6 : i64, tpu.core_type = #tpu.core_type<sc_vector_subcore>, window_params = [{transform_indices = #map}, {transform_indices = #map}, {transform_indices = #map1}, {transform_indices = #map1}, {transform_indices = #map}, {transform_indices = #map2}]} {
    %mul3A = arith.constant 2 : i32
    %mul3A_0 = arith.muli %arg1, %mul3A : i32
    %add3A = arith.addi %mul3A_0, %arg0 : i32
    %mul3A_1 = arith.constant 10000 : i32
    %mul3A_2 = arith.muli %add3A, %mul3A_1 : i32
    %mul3A_3 = arith.constant 640 : i32
    %mul3A_4 = arith.muli %arg1, %mul3A_3 : i32
    %mul3A_5 = arith.constant 640 : i32
    %mul3A_6 = arith.muli %arg1, %mul3A_5 : i32
    "tpu.region"() ({
      %run_scoped3A = tpu.sem_alloc : memref<!tpu.dma_semaphore, #tpu.memory_space<semaphore_mem>>
      %dma_start3A = arith.constant 0 : i32
      %dma_start3A_17 = tpu.memref_slice %arg12[%mul3A_6, %dma_start3A] : memref<10240x128xf32, #tpu.memory_space<vmem_shared>> -> memref<640x128xf32, #tpu.memory_space<vmem_shared>>
      %dma_start3A_18 = arith.constant 0 : i32
      %dma_start3A_19 = tpu.memref_slice %arg6[%mul3A_4, %dma_start3A_18] : memref<10240x128xf32, #tpu.memory_space<hbm>> -> memref<640x128xf32, #tpu.memory_space<hbm>>
      tpu.enqueue_dma source(%dma_start3A_19 : memref<640x128xf32, #tpu.memory_space<hbm>>) target(%dma_start3A_17 : memref<640x128xf32, #tpu.memory_space<vmem_shared>>) target_semaphore(%run_scoped3A : memref<!tpu.dma_semaphore, #tpu.memory_space<semaphore_mem>>)
      %dma_wait3A = arith.constant 0 : i32
      %dma_wait3A_20 = tpu.memref_slice %arg12[%mul3A_6, %dma_wait3A] : memref<10240x128xf32, #tpu.memory_space<vmem_shared>> -> memref<640x128xf32, #tpu.memory_space<vmem_shared>>
      %dma_wait3A_21 = arith.constant 0 : i32
      %dma_wait3A_22 = tpu.memref_slice %arg6[%mul3A_4, %dma_wait3A_21] : memref<10240x128xf32, #tpu.memory_space<hbm>> -> memref<640x128xf32, #tpu.memory_space<hbm>>
      tpu.wait_dma2 semaphore(%run_scoped3A : memref<!tpu.dma_semaphore, #tpu.memory_space<semaphore_mem>>) src(%dma_wait3A_22 : memref<640x128xf32, #tpu.memory_space<hbm>>) dst(%dma_wait3A_20 : memref<640x128xf32, #tpu.memory_space<vmem_shared>>)
      tpu.yield
    }) : () -> ()
    %barrier3A = arith.constant 0 : index
    tpu.barrier barrier_id(%barrier3A)
    %scan3A = arith.constant 0 : i32
    %scan3A_7 = arith.constant 0 : i32
    %scan3A_8 = arith.constant 125 : i32
    %scan3A_9 = arith.addi %scan3A_7, %scan3A_8 : i32
    %scan3A_10 = arith.constant 1 : i32
    scf.for %scan3A_17 = %scan3A_7 to %scan3A_9 step %scan3A_10  : i32 {
      %mul3A_18 = arith.constant 80 : i32
      %mul3A_19 = arith.muli %scan3A_17, %mul3A_18 : i32
      %add3A_20 = arith.addi %mul3A_2, %mul3A_19 : i32
      "tpu.region"() ({
        %run_scoped3A = tpu.sem_alloc : memref<!tpu.dma_semaphore, #tpu.memory_space<semaphore_mem>>
        %dma_start3A_31 = tpu.memref_slice %arg4[%add3A_20] : memref<320000xi32, #tpu.memory_space<hbm>> -> memref<80xi32, #tpu.memory_space<hbm>>
        %dma_start3A_32 = tpu.memref_slice %arg4[%add3A_20] : memref<320000xi32, #tpu.memory_space<hbm>> -> memref<80xi32, #tpu.memory_space<hbm>>
        tpu.enqueue_dma source(%dma_start3A_32 : memref<80xi32, #tpu.memory_space<hbm>>) target(%arg8 : memref<80xi32, #tpu.memory_space<vmem>>) target_semaphore(%run_scoped3A : memref<!tpu.dma_semaphore, #tpu.memory_space<semaphore_mem>>)
        %dma_wait3A_33 = tpu.memref_slice %arg4[%add3A_20] : memref<320000xi32, #tpu.memory_space<hbm>> -> memref<80xi32, #tpu.memory_space<hbm>>
        %dma_wait3A_34 = tpu.memref_slice %arg4[%add3A_20] : memref<320000xi32, #tpu.memory_space<hbm>> -> memref<80xi32, #tpu.memory_space<hbm>>
        tpu.wait_dma2 semaphore(%run_scoped3A : memref<!tpu.dma_semaphore, #tpu.memory_space<semaphore_mem>>) src(%dma_wait3A_34 : memref<80xi32, #tpu.memory_space<hbm>>) dst(%arg8 : memref<80xi32, #tpu.memory_space<vmem>>)
        tpu.yield
      }) : () -> ()
      "tpu.region"() ({
        %run_scoped3A = tpu.sem_alloc : memref<!tpu.dma_semaphore, #tpu.memory_space<semaphore_mem>>
        %dma_start3A_31 = tpu.memref_slice %arg5[%add3A_20] : memref<320000xi32, #tpu.memory_space<hbm>> -> memref<80xi32, #tpu.memory_space<hbm>>
        %dma_start3A_32 = tpu.memref_slice %arg5[%add3A_20] : memref<320000xi32, #tpu.memory_space<hbm>> -> memref<80xi32, #tpu.memory_space<hbm>>
        tpu.enqueue_dma source(%dma_start3A_32 : memref<80xi32, #tpu.memory_space<hbm>>) target(%arg9 : memref<80xi32, #tpu.memory_space<vmem>>) target_semaphore(%run_scoped3A : memref<!tpu.dma_semaphore, #tpu.memory_space<semaphore_mem>>)
        %dma_wait3A_33 = tpu.memref_slice %arg5[%add3A_20] : memref<320000xi32, #tpu.memory_space<hbm>> -> memref<80xi32, #tpu.memory_space<hbm>>
        %dma_wait3A_34 = tpu.memref_slice %arg5[%add3A_20] : memref<320000xi32, #tpu.memory_space<hbm>> -> memref<80xi32, #tpu.memory_space<hbm>>
        tpu.wait_dma2 semaphore(%run_scoped3A : memref<!tpu.dma_semaphore, #tpu.memory_space<semaphore_mem>>) src(%dma_wait3A_34 : memref<80xi32, #tpu.memory_space<hbm>>) dst(%arg9 : memref<80xi32, #tpu.memory_space<vmem>>)
        tpu.yield
      }) : () -> ()
      %dma_start3A = arith.constant 0 : i32
      %dma_start3A_21 = arith.constant 0 : i32
      %dma_start3A_22 = tpu.memref_slice %arg2[%dma_start3A, %dma_start3A_21] : memref<10000x128xf32, #tpu.memory_space<hbm>> -> memref<10000x128xf32, #tpu.memory_space<hbm>>
      tpu.enqueue_indirect_dma source(%dma_start3A_22 : memref<10000x128xf32, #tpu.memory_space<hbm>>) target(%arg10 : memref<80x128xf32, #tpu.memory_space<vmem>>) offsets(%arg8 : memref<80xi32, #tpu.memory_space<vmem>>) semaphore(%arg13 : memref<!tpu.dma_semaphore, #tpu.memory_space<semaphore_mem>>)
      "tpu.region"() ({
        %run_scoped3A = tpu.sem_alloc : memref<!tpu.dma_semaphore, #tpu.memory_space<semaphore_mem>>
        %dma_start3A_31 = arith.constant 0 : i32
        %dma_start3A_32 = tpu.memref_slice %arg3[%add3A_20, %dma_start3A_31] : memref<320000x128xf32, #tpu.memory_space<hbm>> -> memref<80x128xf32, #tpu.memory_space<hbm>>
        %dma_start3A_33 = arith.constant 0 : i32
        %dma_start3A_34 = tpu.memref_slice %arg3[%add3A_20, %dma_start3A_33] : memref<320000x128xf32, #tpu.memory_space<hbm>> -> memref<80x128xf32, #tpu.memory_space<hbm>>
        tpu.enqueue_dma source(%dma_start3A_34 : memref<80x128xf32, #tpu.memory_space<hbm>>) target(%arg11 : memref<80x128xf32, #tpu.memory_space<vmem>>) target_semaphore(%run_scoped3A : memref<!tpu.dma_semaphore, #tpu.memory_space<semaphore_mem>>)
        %dma_wait3A_35 = arith.constant 0 : i32
        %dma_wait3A_36 = tpu.memref_slice %arg3[%add3A_20, %dma_wait3A_35] : memref<320000x128xf32, #tpu.memory_space<hbm>> -> memref<80x128xf32, #tpu.memory_space<hbm>>
        %dma_wait3A_37 = arith.constant 0 : i32
        %dma_wait3A_38 = tpu.memref_slice %arg3[%add3A_20, %dma_wait3A_37] : memref<320000x128xf32, #tpu.memory_space<hbm>> -> memref<80x128xf32, #tpu.memory_space<hbm>>
        tpu.wait_dma2 semaphore(%run_scoped3A : memref<!tpu.dma_semaphore, #tpu.memory_space<semaphore_mem>>) src(%dma_wait3A_38 : memref<80x128xf32, #tpu.memory_space<hbm>>) dst(%arg11 : memref<80x128xf32, #tpu.memory_space<vmem>>)
        tpu.yield
      }) : () -> ()
      %dma_wait3A = arith.constant 0 : i32
      %dma_wait3A_23 = arith.constant 0 : i32
      %dma_wait3A_24 = tpu.memref_slice %arg2[%dma_wait3A, %dma_wait3A_23] : memref<10000x128xf32, #tpu.memory_space<hbm>> -> memref<10000x128xf32, #tpu.memory_space<hbm>>
      tpu.wait_indirect_dma semaphore(%arg13 : memref<!tpu.dma_semaphore, #tpu.memory_space<semaphore_mem>>) src(%dma_wait3A_24 : memref<10000x128xf32, #tpu.memory_space<hbm>>) dst(%arg10 : memref<80x128xf32, #tpu.memory_space<vmem>>)
      %scan3A_25 = arith.constant 0 : i32
      %scan3A_26 = arith.constant 0 : i32
      %scan3A_27 = arith.constant 80 : i32
      %scan3A_28 = arith.addi %scan3A_26, %scan3A_27 : i32
      %scan3A_29 = arith.constant 1 : i32
      scf.for %scan3A_31 = %scan3A_26 to %scan3A_28 step %scan3A_29  : i32 {
        %get3A = arith.index_cast %scan3A_31 : i32 to index
        %get3A_32 = arith.constant 0 : index
        %get3A_33 = tpu.vector_load %arg10[%get3A, %get3A_32] {strides = array<i32>} : memref<80x128xf32, #tpu.memory_space<vmem>>, vector<1x16xf32>,
        %get3A_34 = vector.shape_cast %get3A_33 : vector<1x16xf32> to vector<16xf32>
        %get3A_35 = arith.index_cast %scan3A_31 : i32 to index
        %get3A_36 = arith.constant 0 : index
        %get3A_37 = tpu.vector_load %arg11[%get3A_35, %get3A_36] {strides = array<i32>} : memref<80x128xf32, #tpu.memory_space<vmem>>, vector<1x16xf32>,
        %get3A_38 = vector.shape_cast %get3A_37 : vector<1x16xf32> to vector<16xf32>
        %add3A_39 = arith.addf %get3A_34, %get3A_38 : vector<16xf32>
        %max3A = arith.constant 0.000000e+00 : f32
        %max3A_40 = vector.broadcast %max3A : f32 to vector<16xf32>
        %max3A_41 = arith.maximumf %add3A_39, %max3A_40 : vector<16xf32>
        %swap3A = arith.index_cast %scan3A_31 : i32 to index
        %swap3A_42 = arith.constant 0 : index
        %swap3A_43 = tpu.vector_load %arg11[%swap3A, %swap3A_42] {strides = array<i32>} : memref<80x128xf32, #tpu.memory_space<vmem>>, vector<1x16xf32>,
        %swap3A_44 = vector.shape_cast %swap3A_43 : vector<1x16xf32> to vector<16xf32>
        %swap3A_45 = vector.shape_cast %max3A_41 : vector<16xf32> to vector<1x16xf32>
        tpu.vector_store %arg11[%swap3A, %swap3A_42], %swap3A_45 {strides = array<i32>} : memref<80x128xf32, #tpu.memory_space<vmem>>, vector<1x16xf32>,
        %get3A_46 = arith.index_cast %scan3A_31 : i32 to index
        %get3A_47 = arith.constant 16 : index
        %get3A_48 = tpu.vector_load %arg10[%get3A_46, %get3A_47] {strides = array<i32>} : memref<80x128xf32, #tpu.memory_space<vmem>>, vector<1x16xf32>,
        %get3A_49 = vector.shape_cast %get3A_48 : vector<1x16xf32> to vector<16xf32>
        %get3A_50 = arith.index_cast %scan3A_31 : i32 to index
        %get3A_51 = arith.constant 16 : index
        %get3A_52 = tpu.vector_load %arg11[%get3A_50, %get3A_51] {strides = array<i32>} : memref<80x128xf32, #tpu.memory_space<vmem>>, vector<1x16xf32>,
        %get3A_53 = vector.shape_cast %get3A_52 : vector<1x16xf32> to vector<16xf32>
        %add3A_54 = arith.addf %get3A_49, %get3A_53 : vector<16xf32>
        %max3A_55 = arith.constant 0.000000e+00 : f32
        %max3A_56 = vector.broadcast %max3A_55 : f32 to vector<16xf32>
        %max3A_57 = arith.maximumf %add3A_54, %max3A_56 : vector<16xf32>
        %swap3A_58 = arith.index_cast %scan3A_31 : i32 to index
        %swap3A_59 = arith.constant 16 : index
        %swap3A_60 = tpu.vector_load %arg11[%swap3A_58, %swap3A_59] {strides = array<i32>} : memref<80x128xf32, #tpu.memory_space<vmem>>, vector<1x16xf32>,
        %swap3A_61 = vector.shape_cast %swap3A_60 : vector<1x16xf32> to vector<16xf32>
        %swap3A_62 = vector.shape_cast %max3A_57 : vector<16xf32> to vector<1x16xf32>
        tpu.vector_store %arg11[%swap3A_58, %swap3A_59], %swap3A_62 {strides = array<i32>} : memref<80x128xf32, #tpu.memory_space<vmem>>, vector<1x16xf32>,
        %get3A_63 = arith.index_cast %scan3A_31 : i32 to index
        %get3A_64 = arith.constant 32 : index
        %get3A_65 = tpu.vector_load %arg10[%get3A_63, %get3A_64] {strides = array<i32>} : memref<80x128xf32, #tpu.memory_space<vmem>>, vector<1x16xf32>,
        %get3A_66 = vector.shape_cast %get3A_65 : vector<1x16xf32> to vector<16xf32>
        %get3A_67 = arith.index_cast %scan3A_31 : i32 to index
        %get3A_68 = arith.constant 32 : index
        %get3A_69 = tpu.vector_load %arg11[%get3A_67, %get3A_68] {strides = array<i32>} : memref<80x128xf32, #tpu.memory_space<vmem>>, vector<1x16xf32>,
        %get3A_70 = vector.shape_cast %get3A_69 : vector<1x16xf32> to vector<16xf32>
        %add3A_71 = arith.addf %get3A_66, %get3A_70 : vector<16xf32>
        %max3A_72 = arith.constant 0.000000e+00 : f32
        %max3A_73 = vector.broadcast %max3A_72 : f32 to vector<16xf32>
        %max3A_74 = arith.maximumf %add3A_71, %max3A_73 : vector<16xf32>
        %swap3A_75 = arith.index_cast %scan3A_31 : i32 to index
        %swap3A_76 = arith.constant 32 : index
        %swap3A_77 = tpu.vector_load %arg11[%swap3A_75, %swap3A_76] {strides = array<i32>} : memref<80x128xf32, #tpu.memory_space<vmem>>, vector<1x16xf32>,
        %swap3A_78 = vector.shape_cast %swap3A_77 : vector<1x16xf32> to vector<16xf32>
        %swap3A_79 = vector.shape_cast %max3A_74 : vector<16xf32> to vector<1x16xf32>
        tpu.vector_store %arg11[%swap3A_75, %swap3A_76], %swap3A_79 {strides = array<i32>} : memref<80x128xf32, #tpu.memory_space<vmem>>, vector<1x16xf32>,
        %get3A_80 = arith.index_cast %scan3A_31 : i32 to index
        %get3A_81 = arith.constant 48 : index
        %get3A_82 = tpu.vector_load %arg10[%get3A_80, %get3A_81] {strides = array<i32>} : memref<80x128xf32, #tpu.memory_space<vmem>>, vector<1x16xf32>,
        %get3A_83 = vector.shape_cast %get3A_82 : vector<1x16xf32> to vector<16xf32>
        %get3A_84 = arith.index_cast %scan3A_31 : i32 to index
        %get3A_85 = arith.constant 48 : index
        %get3A_86 = tpu.vector_load %arg11[%get3A_84, %get3A_85] {strides = array<i32>} : memref<80x128xf32, #tpu.memory_space<vmem>>, vector<1x16xf32>,
        %get3A_87 = vector.shape_cast %get3A_86 : vector<1x16xf32> to vector<16xf32>
        %add3A_88 = arith.addf %get3A_83, %get3A_87 : vector<16xf32>
        %max3A_89 = arith.constant 0.000000e+00 : f32
        %max3A_90 = vector.broadcast %max3A_89 : f32 to vector<16xf32>
        %max3A_91 = arith.maximumf %add3A_88, %max3A_90 : vector<16xf32>
        %swap3A_92 = arith.index_cast %scan3A_31 : i32 to index
        %swap3A_93 = arith.constant 48 : index
        %swap3A_94 = tpu.vector_load %arg11[%swap3A_92, %swap3A_93] {strides = array<i32>} : memref<80x128xf32, #tpu.memory_space<vmem>>, vector<1x16xf32>,
        %swap3A_95 = vector.shape_cast %swap3A_94 : vector<1x16xf32> to vector<16xf32>
        %swap3A_96 = vector.shape_cast %max3A_91 : vector<16xf32> to vector<1x16xf32>
        tpu.vector_store %arg11[%swap3A_92, %swap3A_93], %swap3A_96 {strides = array<i32>} : memref<80x128xf32, #tpu.memory_space<vmem>>, vector<1x16xf32>,
        %get3A_97 = arith.index_cast %scan3A_31 : i32 to index
        %get3A_98 = arith.constant 64 : index
        %get3A_99 = tpu.vector_load %arg10[%get3A_97, %get3A_98] {strides = array<i32>} : memref<80x128xf32, #tpu.memory_space<vmem>>, vector<1x16xf32>,
        %get3A_100 = vector.shape_cast %get3A_99 : vector<1x16xf32> to vector<16xf32>
        %get3A_101 = arith.index_cast %scan3A_31 : i32 to index
        %get3A_102 = arith.constant 64 : index
        %get3A_103 = tpu.vector_load %arg11[%get3A_101, %get3A_102] {strides = array<i32>} : memref<80x128xf32, #tpu.memory_space<vmem>>, vector<1x16xf32>,
        %get3A_104 = vector.shape_cast %get3A_103 : vector<1x16xf32> to vector<16xf32>
        %add3A_105 = arith.addf %get3A_100, %get3A_104 : vector<16xf32>
        %max3A_106 = arith.constant 0.000000e+00 : f32
        %max3A_107 = vector.broadcast %max3A_106 : f32 to vector<16xf32>
        %max3A_108 = arith.maximumf %add3A_105, %max3A_107 : vector<16xf32>
        %swap3A_109 = arith.index_cast %scan3A_31 : i32 to index
        %swap3A_110 = arith.constant 64 : index
        %swap3A_111 = tpu.vector_load %arg11[%swap3A_109, %swap3A_110] {strides = array<i32>} : memref<80x128xf32, #tpu.memory_space<vmem>>, vector<1x16xf32>,
        %swap3A_112 = vector.shape_cast %swap3A_111 : vector<1x16xf32> to vector<16xf32>
        %swap3A_113 = vector.shape_cast %max3A_108 : vector<16xf32> to vector<1x16xf32>
        tpu.vector_store %arg11[%swap3A_109, %swap3A_110], %swap3A_113 {strides = array<i32>} : memref<80x128xf32, #tpu.memory_space<vmem>>, vector<1x16xf32>,
        %get3A_114 = arith.index_cast %scan3A_31 : i32 to index
        %get3A_115 = arith.constant 80 : index
        %get3A_116 = tpu.vector_load %arg10[%get3A_114, %get3A_115] {strides = array<i32>} : memref<80x128xf32, #tpu.memory_space<vmem>>, vector<1x16xf32>,
        %get3A_117 = vector.shape_cast %get3A_116 : vector<1x16xf32> to vector<16xf32>
        %get3A_118 = arith.index_cast %scan3A_31 : i32 to index
        %get3A_119 = arith.constant 80 : index
        %get3A_120 = tpu.vector_load %arg11[%get3A_118, %get3A_119] {strides = array<i32>} : memref<80x128xf32, #tpu.memory_space<vmem>>, vector<1x16xf32>,
        %get3A_121 = vector.shape_cast %get3A_120 : vector<1x16xf32> to vector<16xf32>
        %add3A_122 = arith.addf %get3A_117, %get3A_121 : vector<16xf32>
        %max3A_123 = arith.constant 0.000000e+00 : f32
        %max3A_124 = vector.broadcast %max3A_123 : f32 to vector<16xf32>
        %max3A_125 = arith.maximumf %add3A_122, %max3A_124 : vector<16xf32>
        %swap3A_126 = arith.index_cast %scan3A_31 : i32 to index
        %swap3A_127 = arith.constant 80 : index
        %swap3A_128 = tpu.vector_load %arg11[%swap3A_126, %swap3A_127] {strides = array<i32>} : memref<80x128xf32, #tpu.memory_space<vmem>>, vector<1x16xf32>,
        %swap3A_129 = vector.shape_cast %swap3A_128 : vector<1x16xf32> to vector<16xf32>
        %swap3A_130 = vector.shape_cast %max3A_125 : vector<16xf32> to vector<1x16xf32>
        tpu.vector_store %arg11[%swap3A_126, %swap3A_127], %swap3A_130 {strides = array<i32>} : memref<80x128xf32, #tpu.memory_space<vmem>>, vector<1x16xf32>,
        %get3A_131 = arith.index_cast %scan3A_31 : i32 to index
        %get3A_132 = arith.constant 96 : index
        %get3A_133 = tpu.vector_load %arg10[%get3A_131, %get3A_132] {strides = array<i32>} : memref<80x128xf32, #tpu.memory_space<vmem>>, vector<1x16xf32>,
        %get3A_134 = vector.shape_cast %get3A_133 : vector<1x16xf32> to vector<16xf32>
        %get3A_135 = arith.index_cast %scan3A_31 : i32 to index
        %get3A_136 = arith.constant 96 : index
        %get3A_137 = tpu.vector_load %arg11[%get3A_135, %get3A_136] {strides = array<i32>} : memref<80x128xf32, #tpu.memory_space<vmem>>, vector<1x16xf32>,
        %get3A_138 = vector.shape_cast %get3A_137 : vector<1x16xf32> to vector<16xf32>
        %add3A_139 = arith.addf %get3A_134, %get3A_138 : vector<16xf32>
        %max3A_140 = arith.constant 0.000000e+00 : f32
        %max3A_141 = vector.broadcast %max3A_140 : f32 to vector<16xf32>
        %max3A_142 = arith.maximumf %add3A_139, %max3A_141 : vector<16xf32>
        %swap3A_143 = arith.index_cast %scan3A_31 : i32 to index
        %swap3A_144 = arith.constant 96 : index
        %swap3A_145 = tpu.vector_load %arg11[%swap3A_143, %swap3A_144] {strides = array<i32>} : memref<80x128xf32, #tpu.memory_space<vmem>>, vector<1x16xf32>,
        %swap3A_146 = vector.shape_cast %swap3A_145 : vector<1x16xf32> to vector<16xf32>
        %swap3A_147 = vector.shape_cast %max3A_142 : vector<16xf32> to vector<1x16xf32>
        tpu.vector_store %arg11[%swap3A_143, %swap3A_144], %swap3A_147 {strides = array<i32>} : memref<80x128xf32, #tpu.memory_space<vmem>>, vector<1x16xf32>,
        %get3A_148 = arith.index_cast %scan3A_31 : i32 to index
        %get3A_149 = arith.constant 112 : index
        %get3A_150 = tpu.vector_load %arg10[%get3A_148, %get3A_149] {strides = array<i32>} : memref<80x128xf32, #tpu.memory_space<vmem>>, vector<1x16xf32>,
        %get3A_151 = vector.shape_cast %get3A_150 : vector<1x16xf32> to vector<16xf32>
        %get3A_152 = arith.index_cast %scan3A_31 : i32 to index
        %get3A_153 = arith.constant 112 : index
        %get3A_154 = tpu.vector_load %arg11[%get3A_152, %get3A_153] {strides = array<i32>} : memref<80x128xf32, #tpu.memory_space<vmem>>, vector<1x16xf32>,
        %get3A_155 = vector.shape_cast %get3A_154 : vector<1x16xf32> to vector<16xf32>
        %add3A_156 = arith.addf %get3A_151, %get3A_155 : vector<16xf32>
        %max3A_157 = arith.constant 0.000000e+00 : f32
        %max3A_158 = vector.broadcast %max3A_157 : f32 to vector<16xf32>
        %max3A_159 = arith.maximumf %add3A_156, %max3A_158 : vector<16xf32>
        %swap3A_160 = arith.index_cast %scan3A_31 : i32 to index
        %swap3A_161 = arith.constant 112 : index
        %swap3A_162 = tpu.vector_load %arg11[%swap3A_160, %swap3A_161] {strides = array<i32>} : memref<80x128xf32, #tpu.memory_space<vmem>>, vector<1x16xf32>,
        %swap3A_163 = vector.shape_cast %swap3A_162 : vector<1x16xf32> to vector<16xf32>
        %swap3A_164 = vector.shape_cast %max3A_159 : vector<16xf32> to vector<1x16xf32>
        tpu.vector_store %arg11[%swap3A_160, %swap3A_161], %swap3A_164 {strides = array<i32>} : memref<80x128xf32, #tpu.memory_space<vmem>>, vector<1x16xf32>,
      }
      %scan3A_30 = arith.constant 80 : i32
      "tpu.region"() ({
        %run_scoped3A = tpu.sem_alloc : memref<!tpu.dma_semaphore, #tpu.memory_space<semaphore_mem>>
        %dma_start3A_31 = arith.constant 0 : i32
        %dma_start3A_32 = arith.constant 0 : i32
        %dma_start3A_33 = tpu.memref_slice %arg12[%dma_start3A_31, %dma_start3A_32] : memref<10240x128xf32, #tpu.memory_space<vmem_shared>> -> memref<10240x128xf32, #tpu.memory_space<vmem_shared>>
        tpu.enqueue_indirect_dma source(%arg11 : memref<80x128xf32, #tpu.memory_space<vmem>>) target(%dma_start3A_33 : memref<10240x128xf32, #tpu.memory_space<vmem_shared>>) offsets(%arg9 : memref<80xi32, #tpu.memory_space<vmem>>) semaphore(%run_scoped3A : memref<!tpu.dma_semaphore, #tpu.memory_space<semaphore_mem>>) {add = true}
        %dma_wait3A_34 = arith.constant 0 : i32
        %dma_wait3A_35 = arith.constant 0 : i32
        %dma_wait3A_36 = tpu.memref_slice %arg12[%dma_wait3A_34, %dma_wait3A_35] : memref<10240x128xf32, #tpu.memory_space<vmem_shared>> -> memref<10240x128xf32, #tpu.memory_space<vmem_shared>>
        tpu.wait_indirect_dma semaphore(%run_scoped3A : memref<!tpu.dma_semaphore, #tpu.memory_space<semaphore_mem>>) src(%arg11 : memref<80x128xf32, #tpu.memory_space<vmem>>) dst(%dma_wait3A_36 : memref<10240x128xf32, #tpu.memory_space<vmem_shared>>)
        tpu.yield
      }) : () -> ()
    }
    %scan3A_11 = arith.constant 125 : i32
    %barrier3A_12 = arith.constant 0 : index
    tpu.barrier barrier_id(%barrier3A_12)
    %mul3A_13 = arith.constant 640 : i32
    %mul3A_14 = arith.muli %arg1, %mul3A_13 : i32
    %mul3A_15 = arith.constant 640 : i32
    %mul3A_16 = arith.muli %arg1, %mul3A_15 : i32
    "tpu.region"() ({
      %run_scoped3A = tpu.sem_alloc : memref<!tpu.dma_semaphore, #tpu.memory_space<semaphore_mem>>
      %dma_start3A = arith.constant 0 : i32
      %dma_start3A_17 = tpu.memref_slice %arg7[%arg0, %mul3A_16, %dma_start3A] : memref<2x10240x128xf32, #tpu.memory_space<hbm>> -> memref<1x640x128xf32, #tpu.memory_space<hbm>>
      %dma_start3A_18 = tpu.memref_squeeze %dma_start3A_17 : memref<1x640x128xf32, #tpu.memory_space<hbm>> -> memref<640x128xf32, #tpu.memory_space<hbm>>
      %dma_start3A_19 = arith.constant 0 : i32
      %dma_start3A_20 = tpu.memref_slice %arg12[%mul3A_14, %dma_start3A_19] : memref<10240x128xf32, #tpu.memory_space<vmem_shared>> -> memref<640x128xf32, #tpu.memory_space<vmem_shared>>
      tpu.enqueue_dma source(%dma_start3A_20 : memref<640x128xf32, #tpu.memory_space<vmem_shared>>) target(%dma_start3A_18 : memref<640x128xf32, #tpu.memory_space<hbm>>) target_semaphore(%run_scoped3A : memref<!tpu.dma_semaphore, #tpu.memory_space<semaphore_mem>>)
      %dma_wait3A = arith.constant 0 : i32
      %dma_wait3A_21 = tpu.memref_slice %arg7[%arg0, %mul3A_16, %dma_wait3A] : memref<2x10240x128xf32, #tpu.memory_space<hbm>> -> memref<1x640x128xf32, #tpu.memory_space<hbm>>
      %dma_wait3A_22 = tpu.memref_squeeze %dma_wait3A_21 : memref<1x640x128xf32, #tpu.memory_space<hbm>> -> memref<640x128xf32, #tpu.memory_space<hbm>>
      %dma_wait3A_23 = arith.constant 0 : i32
      %dma_wait3A_24 = tpu.memref_slice %arg12[%mul3A_14, %dma_wait3A_23] : memref<10240x128xf32, #tpu.memory_space<vmem_shared>> -> memref<640x128xf32, #tpu.memory_space<vmem_shared>>
      tpu.wait_dma2 semaphore(%run_scoped3A : memref<!tpu.dma_semaphore, #tpu.memory_space<semaphore_mem>>) src(%dma_wait3A_24 : memref<640x128xf32, #tpu.memory_space<vmem_shared>>) dst(%dma_wait3A_22 : memref<640x128xf32, #tpu.memory_space<hbm>>)
      tpu.yield
    }) : () -> ()
    return
  }
}

#map = affine_map<(d0, d1) -> (0, 0)>
#map1 = affine_map<(d0, d1) -> (0)>
#map2 = affine_map<(d0, d1) -> (0, 0, 0)>
module attributes {stable_mosaic.version = 14 : i64} {
  func.func @_mp_body(%arg0: i32, %arg1: i32, %arg2: memref<10000x128xf32, #tpu.memory_space<hbm>>, %arg3: memref<320000x128xf32, #tpu.memory_space<hbm>>, %arg4: memref<320000xi32, #tpu.memory_space<hbm>>, %arg5: memref<320000xi32, #tpu.memory_space<hbm>>, %arg6: memref<10240x128xf32, #tpu.memory_space<hbm>>, %arg7: memref<2x10240x128xf32, #tpu.memory_space<hbm>>, %arg8: memref<80xi32, #tpu.memory_space<vmem>>, %arg9: memref<80xi32, #tpu.memory_space<vmem>>, %arg10: memref<80x128xf32, #tpu.memory_space<vmem>>, %arg11: memref<80x128xf32, #tpu.memory_space<vmem>>, %arg12: memref<10240x128xf32, #tpu.memory_space<vmem_shared>>, %arg13: memref<!tpu.dma_semaphore, #tpu.memory_space<semaphore_mem>>) attributes {dimension_semantics = [#tpu.dimension_semantics<core_parallel>, #tpu.dimension_semantics<subcore_parallel>], iteration_bounds = array<i64: 2, 16>, scalar_prefetch = 0 : i64, scratch_operands = 6 : i64, tpu.core_type = #tpu.core_type<sc_vector_subcore>, window_params = [{transform_indices = #map}, {transform_indices = #map}, {transform_indices = #map1}, {transform_indices = #map1}, {transform_indices = #map}, {transform_indices = #map2}]} {
    %mul3A = arith.constant 2 : i32
    %mul3A_0 = arith.muli %arg1, %mul3A : i32
    %add3A = arith.addi %mul3A_0, %arg0 : i32
    %mul3A_1 = arith.constant 10000 : i32
    %mul3A_2 = arith.muli %add3A, %mul3A_1 : i32
    %mul3A_3 = arith.constant 640 : i32
    %mul3A_4 = arith.muli %arg1, %mul3A_3 : i32
    %mul3A_5 = arith.constant 640 : i32
    %mul3A_6 = arith.muli %arg1, %mul3A_5 : i32
    "tpu.region"() ({
      %run_scoped3A = tpu.sem_alloc : memref<!tpu.dma_semaphore, #tpu.memory_space<semaphore_mem>>
      %dma_start3A = arith.constant 0 : i32
      %dma_start3A_17 = tpu.memref_slice %arg12[%mul3A_6, %dma_start3A] : memref<10240x128xf32, #tpu.memory_space<vmem_shared>> -> memref<640x128xf32, #tpu.memory_space<vmem_shared>>
      %dma_start3A_18 = arith.constant 0 : i32
      %dma_start3A_19 = tpu.memref_slice %arg6[%mul3A_4, %dma_start3A_18] : memref<10240x128xf32, #tpu.memory_space<hbm>> -> memref<640x128xf32, #tpu.memory_space<hbm>>
      tpu.enqueue_dma source(%dma_start3A_19 : memref<640x128xf32, #tpu.memory_space<hbm>>) target(%dma_start3A_17 : memref<640x128xf32, #tpu.memory_space<vmem_shared>>) target_semaphore(%run_scoped3A : memref<!tpu.dma_semaphore, #tpu.memory_space<semaphore_mem>>)
      %dma_wait3A = arith.constant 0 : i32
      %dma_wait3A_20 = tpu.memref_slice %arg12[%mul3A_6, %dma_wait3A] : memref<10240x128xf32, #tpu.memory_space<vmem_shared>> -> memref<640x128xf32, #tpu.memory_space<vmem_shared>>
      %dma_wait3A_21 = arith.constant 0 : i32
      %dma_wait3A_22 = tpu.memref_slice %arg6[%mul3A_4, %dma_wait3A_21] : memref<10240x128xf32, #tpu.memory_space<hbm>> -> memref<640x128xf32, #tpu.memory_space<hbm>>
      tpu.wait_dma2 semaphore(%run_scoped3A : memref<!tpu.dma_semaphore, #tpu.memory_space<semaphore_mem>>) src(%dma_wait3A_22 : memref<640x128xf32, #tpu.memory_space<hbm>>) dst(%dma_wait3A_20 : memref<640x128xf32, #tpu.memory_space<vmem_shared>>)
      tpu.yield
    }) : () -> ()
    %barrier3A = arith.constant 0 : index
    tpu.barrier barrier_id(%barrier3A)
    %scan3A = arith.constant 0 : i32
    %scan3A_7 = arith.constant 0 : i32
    %scan3A_8 = arith.constant 125 : i32
    %scan3A_9 = arith.addi %scan3A_7, %scan3A_8 : i32
    %scan3A_10 = arith.constant 1 : i32
    scf.for %scan3A_17 = %scan3A_7 to %scan3A_9 step %scan3A_10  : i32 {
      %mul3A_18 = arith.constant 80 : i32
      %mul3A_19 = arith.muli %scan3A_17, %mul3A_18 : i32
      %add3A_20 = arith.addi %mul3A_2, %mul3A_19 : i32
      "tpu.region"() ({
        %run_scoped3A = tpu.sem_alloc : memref<!tpu.dma_semaphore, #tpu.memory_space<semaphore_mem>>
        %dma_start3A_31 = tpu.memref_slice %arg4[%add3A_20] : memref<320000xi32, #tpu.memory_space<hbm>> -> memref<80xi32, #tpu.memory_space<hbm>>
        %dma_start3A_32 = tpu.memref_slice %arg4[%add3A_20] : memref<320000xi32, #tpu.memory_space<hbm>> -> memref<80xi32, #tpu.memory_space<hbm>>
        tpu.enqueue_dma source(%dma_start3A_32 : memref<80xi32, #tpu.memory_space<hbm>>) target(%arg8 : memref<80xi32, #tpu.memory_space<vmem>>) target_semaphore(%run_scoped3A : memref<!tpu.dma_semaphore, #tpu.memory_space<semaphore_mem>>)
        %dma_wait3A_33 = tpu.memref_slice %arg4[%add3A_20] : memref<320000xi32, #tpu.memory_space<hbm>> -> memref<80xi32, #tpu.memory_space<hbm>>
        %dma_wait3A_34 = tpu.memref_slice %arg4[%add3A_20] : memref<320000xi32, #tpu.memory_space<hbm>> -> memref<80xi32, #tpu.memory_space<hbm>>
        tpu.wait_dma2 semaphore(%run_scoped3A : memref<!tpu.dma_semaphore, #tpu.memory_space<semaphore_mem>>) src(%dma_wait3A_34 : memref<80xi32, #tpu.memory_space<hbm>>) dst(%arg8 : memref<80xi32, #tpu.memory_space<vmem>>)
        tpu.yield
      }) : () -> ()
      "tpu.region"() ({
        %run_scoped3A = tpu.sem_alloc : memref<!tpu.dma_semaphore, #tpu.memory_space<semaphore_mem>>
        %dma_start3A_31 = tpu.memref_slice %arg5[%add3A_20] : memref<320000xi32, #tpu.memory_space<hbm>> -> memref<80xi32, #tpu.memory_space<hbm>>
        %dma_start3A_32 = tpu.memref_slice %arg5[%add3A_20] : memref<320000xi32, #tpu.memory_space<hbm>> -> memref<80xi32, #tpu.memory_space<hbm>>
        tpu.enqueue_dma source(%dma_start3A_32 : memref<80xi32, #tpu.memory_space<hbm>>) target(%arg9 : memref<80xi32, #tpu.memory_space<vmem>>) target_semaphore(%run_scoped3A : memref<!tpu.dma_semaphore, #tpu.memory_space<semaphore_mem>>)
        %dma_wait3A_33 = tpu.memref_slice %arg5[%add3A_20] : memref<320000xi32, #tpu.memory_space<hbm>> -> memref<80xi32, #tpu.memory_space<hbm>>
        %dma_wait3A_34 = tpu.memref_slice %arg5[%add3A_20] : memref<320000xi32, #tpu.memory_space<hbm>> -> memref<80xi32, #tpu.memory_space<hbm>>
        tpu.wait_dma2 semaphore(%run_scoped3A : memref<!tpu.dma_semaphore, #tpu.memory_space<semaphore_mem>>) src(%dma_wait3A_34 : memref<80xi32, #tpu.memory_space<hbm>>) dst(%arg9 : memref<80xi32, #tpu.memory_space<vmem>>)
        tpu.yield
      }) : () -> ()
      %dma_start3A = arith.constant 0 : i32
      %dma_start3A_21 = arith.constant 0 : i32
      %dma_start3A_22 = tpu.memref_slice %arg2[%dma_start3A, %dma_start3A_21] : memref<10000x128xf32, #tpu.memory_space<hbm>> -> memref<10000x128xf32, #tpu.memory_space<hbm>>
      tpu.enqueue_indirect_dma source(%dma_start3A_22 : memref<10000x128xf32, #tpu.memory_space<hbm>>) target(%arg10 : memref<80x128xf32, #tpu.memory_space<vmem>>) offsets(%arg8 : memref<80xi32, #tpu.memory_space<vmem>>) semaphore(%arg13 : memref<!tpu.dma_semaphore, #tpu.memory_space<semaphore_mem>>)
      "tpu.region"() ({
        %run_scoped3A = tpu.sem_alloc : memref<!tpu.dma_semaphore, #tpu.memory_space<semaphore_mem>>
        %dma_start3A_31 = arith.constant 0 : i32
        %dma_start3A_32 = tpu.memref_slice %arg3[%add3A_20, %dma_start3A_31] : memref<320000x128xf32, #tpu.memory_space<hbm>> -> memref<80x128xf32, #tpu.memory_space<hbm>>
        %dma_start3A_33 = arith.constant 0 : i32
        %dma_start3A_34 = tpu.memref_slice %arg3[%add3A_20, %dma_start3A_33] : memref<320000x128xf32, #tpu.memory_space<hbm>> -> memref<80x128xf32, #tpu.memory_space<hbm>>
        tpu.enqueue_dma source(%dma_start3A_34 : memref<80x128xf32, #tpu.memory_space<hbm>>) target(%arg11 : memref<80x128xf32, #tpu.memory_space<vmem>>) target_semaphore(%run_scoped3A : memref<!tpu.dma_semaphore, #tpu.memory_space<semaphore_mem>>)
        %dma_wait3A_35 = arith.constant 0 : i32
        %dma_wait3A_36 = tpu.memref_slice %arg3[%add3A_20, %dma_wait3A_35] : memref<320000x128xf32, #tpu.memory_space<hbm>> -> memref<80x128xf32, #tpu.memory_space<hbm>>
        %dma_wait3A_37 = arith.constant 0 : i32
        %dma_wait3A_38 = tpu.memref_slice %arg3[%add3A_20, %dma_wait3A_37] : memref<320000x128xf32, #tpu.memory_space<hbm>> -> memref<80x128xf32, #tpu.memory_space<hbm>>
        tpu.wait_dma2 semaphore(%run_scoped3A : memref<!tpu.dma_semaphore, #tpu.memory_space<semaphore_mem>>) src(%dma_wait3A_38 : memref<80x128xf32, #tpu.memory_space<hbm>>) dst(%arg11 : memref<80x128xf32, #tpu.memory_space<vmem>>)
        tpu.yield
      }) : () -> ()
      %dma_wait3A = arith.constant 0 : i32
      %dma_wait3A_23 = arith.constant 0 : i32
      %dma_wait3A_24 = tpu.memref_slice %arg2[%dma_wait3A, %dma_wait3A_23] : memref<10000x128xf32, #tpu.memory_space<hbm>> -> memref<10000x128xf32, #tpu.memory_space<hbm>>
      tpu.wait_indirect_dma semaphore(%arg13 : memref<!tpu.dma_semaphore, #tpu.memory_space<semaphore_mem>>) src(%dma_wait3A_24 : memref<10000x128xf32, #tpu.memory_space<hbm>>) dst(%arg10 : memref<80x128xf32, #tpu.memory_space<vmem>>)
      %scan3A_25 = arith.constant 0 : i32
      %scan3A_26 = arith.constant 0 : i32
      %scan3A_27 = arith.constant 80 : i32
      %scan3A_28 = arith.addi %scan3A_26, %scan3A_27 : i32
      %scan3A_29 = arith.constant 1 : i32
      scf.for %scan3A_31 = %scan3A_26 to %scan3A_28 step %scan3A_29  : i32 {
        %get3A = arith.index_cast %scan3A_31 : i32 to index
        %get3A_32 = arith.constant 0 : index
        %get3A_33 = tpu.vector_load %arg10[%get3A, %get3A_32] {strides = array<i32>} : memref<80x128xf32, #tpu.memory_space<vmem>>, vector<1x16xf32>,
        %get3A_34 = vector.shape_cast %get3A_33 : vector<1x16xf32> to vector<16xf32>
        %get3A_35 = arith.index_cast %scan3A_31 : i32 to index
        %get3A_36 = arith.constant 0 : index
        %get3A_37 = tpu.vector_load %arg11[%get3A_35, %get3A_36] {strides = array<i32>} : memref<80x128xf32, #tpu.memory_space<vmem>>, vector<1x16xf32>,
        %get3A_38 = vector.shape_cast %get3A_37 : vector<1x16xf32> to vector<16xf32>
        %add3A_39 = arith.addf %get3A_34, %get3A_38 : vector<16xf32>
        %max3A = arith.constant 0.000000e+00 : f32
        %max3A_40 = vector.broadcast %max3A : f32 to vector<16xf32>
        %max3A_41 = arith.maximumf %add3A_39, %max3A_40 : vector<16xf32>
        %swap3A = arith.index_cast %scan3A_31 : i32 to index
        %swap3A_42 = arith.constant 0 : index
        %swap3A_43 = tpu.vector_load %arg11[%swap3A, %swap3A_42] {strides = array<i32>} : memref<80x128xf32, #tpu.memory_space<vmem>>, vector<1x16xf32>,
        %swap3A_44 = vector.shape_cast %swap3A_43 : vector<1x16xf32> to vector<16xf32>
        %swap3A_45 = vector.shape_cast %max3A_41 : vector<16xf32> to vector<1x16xf32>
        tpu.vector_store %arg11[%swap3A, %swap3A_42], %swap3A_45 {strides = array<i32>} : memref<80x128xf32, #tpu.memory_space<vmem>>, vector<1x16xf32>,
        %get3A_46 = arith.index_cast %scan3A_31 : i32 to index
        %get3A_47 = arith.constant 16 : index
        %get3A_48 = tpu.vector_load %arg10[%get3A_46, %get3A_47] {strides = array<i32>} : memref<80x128xf32, #tpu.memory_space<vmem>>, vector<1x16xf32>,
        %get3A_49 = vector.shape_cast %get3A_48 : vector<1x16xf32> to vector<16xf32>
        %get3A_50 = arith.index_cast %scan3A_31 : i32 to index
        %get3A_51 = arith.constant 16 : index
        %get3A_52 = tpu.vector_load %arg11[%get3A_50, %get3A_51] {strides = array<i32>} : memref<80x128xf32, #tpu.memory_space<vmem>>, vector<1x16xf32>,
        %get3A_53 = vector.shape_cast %get3A_52 : vector<1x16xf32> to vector<16xf32>
        %add3A_54 = arith.addf %get3A_49, %get3A_53 : vector<16xf32>
        %max3A_55 = arith.constant 0.000000e+00 : f32
        %max3A_56 = vector.broadcast %max3A_55 : f32 to vector<16xf32>
        %max3A_57 = arith.maximumf %add3A_54, %max3A_56 : vector<16xf32>
        %swap3A_58 = arith.index_cast %scan3A_31 : i32 to index
        %swap3A_59 = arith.constant 16 : index
        %swap3A_60 = tpu.vector_load %arg11[%swap3A_58, %swap3A_59] {strides = array<i32>} : memref<80x128xf32, #tpu.memory_space<vmem>>, vector<1x16xf32>,
        %swap3A_61 = vector.shape_cast %swap3A_60 : vector<1x16xf32> to vector<16xf32>
        %swap3A_62 = vector.shape_cast %max3A_57 : vector<16xf32> to vector<1x16xf32>
        tpu.vector_store %arg11[%swap3A_58, %swap3A_59], %swap3A_62 {strides = array<i32>} : memref<80x128xf32, #tpu.memory_space<vmem>>, vector<1x16xf32>,
        %get3A_63 = arith.index_cast %scan3A_31 : i32 to index
        %get3A_64 = arith.constant 32 : index
        %get3A_65 = tpu.vector_load %arg10[%get3A_63, %get3A_64] {strides = array<i32>} : memref<80x128xf32, #tpu.memory_space<vmem>>, vector<1x16xf32>,
        %get3A_66 = vector.shape_cast %get3A_65 : vector<1x16xf32> to vector<16xf32>
        %get3A_67 = arith.index_cast %scan3A_31 : i32 to index
        %get3A_68 = arith.constant 32 : index
        %get3A_69 = tpu.vector_load %arg11[%get3A_67, %get3A_68] {strides = array<i32>} : memref<80x128xf32, #tpu.memory_space<vmem>>, vector<1x16xf32>,
        %get3A_70 = vector.shape_cast %get3A_69 : vector<1x16xf32> to vector<16xf32>
        %add3A_71 = arith.addf %get3A_66, %get3A_70 : vector<16xf32>
        %max3A_72 = arith.constant 0.000000e+00 : f32
        %max3A_73 = vector.broadcast %max3A_72 : f32 to vector<16xf32>
        %max3A_74 = arith.maximumf %add3A_71, %max3A_73 : vector<16xf32>
        %swap3A_75 = arith.index_cast %scan3A_31 : i32 to index
        %swap3A_76 = arith.constant 32 : index
        %swap3A_77 = tpu.vector_load %arg11[%swap3A_75, %swap3A_76] {strides = array<i32>} : memref<80x128xf32, #tpu.memory_space<vmem>>, vector<1x16xf32>,
        %swap3A_78 = vector.shape_cast %swap3A_77 : vector<1x16xf32> to vector<16xf32>
        %swap3A_79 = vector.shape_cast %max3A_74 : vector<16xf32> to vector<1x16xf32>
        tpu.vector_store %arg11[%swap3A_75, %swap3A_76], %swap3A_79 {strides = array<i32>} : memref<80x128xf32, #tpu.memory_space<vmem>>, vector<1x16xf32>,
        %get3A_80 = arith.index_cast %scan3A_31 : i32 to index
        %get3A_81 = arith.constant 48 : index
        %get3A_82 = tpu.vector_load %arg10[%get3A_80, %get3A_81] {strides = array<i32>} : memref<80x128xf32, #tpu.memory_space<vmem>>, vector<1x16xf32>,
        %get3A_83 = vector.shape_cast %get3A_82 : vector<1x16xf32> to vector<16xf32>
        %get3A_84 = arith.index_cast %scan3A_31 : i32 to index
        %get3A_85 = arith.constant 48 : index
        %get3A_86 = tpu.vector_load %arg11[%get3A_84, %get3A_85] {strides = array<i32>} : memref<80x128xf32, #tpu.memory_space<vmem>>, vector<1x16xf32>,
        %get3A_87 = vector.shape_cast %get3A_86 : vector<1x16xf32> to vector<16xf32>
        %add3A_88 = arith.addf %get3A_83, %get3A_87 : vector<16xf32>
        %max3A_89 = arith.constant 0.000000e+00 : f32
        %max3A_90 = vector.broadcast %max3A_89 : f32 to vector<16xf32>
        %max3A_91 = arith.maximumf %add3A_88, %max3A_90 : vector<16xf32>
        %swap3A_92 = arith.index_cast %scan3A_31 : i32 to index
        %swap3A_93 = arith.constant 48 : index
        %swap3A_94 = tpu.vector_load %arg11[%swap3A_92, %swap3A_93] {strides = array<i32>} : memref<80x128xf32, #tpu.memory_space<vmem>>, vector<1x16xf32>,
        %swap3A_95 = vector.shape_cast %swap3A_94 : vector<1x16xf32> to vector<16xf32>
        %swap3A_96 = vector.shape_cast %max3A_91 : vector<16xf32> to vector<1x16xf32>
        tpu.vector_store %arg11[%swap3A_92, %swap3A_93], %swap3A_96 {strides = array<i32>} : memref<80x128xf32, #tpu.memory_space<vmem>>, vector<1x16xf32>,
        %get3A_97 = arith.index_cast %scan3A_31 : i32 to index
        %get3A_98 = arith.constant 64 : index
        %get3A_99 = tpu.vector_load %arg10[%get3A_97, %get3A_98] {strides = array<i32>} : memref<80x128xf32, #tpu.memory_space<vmem>>, vector<1x16xf32>,
        %get3A_100 = vector.shape_cast %get3A_99 : vector<1x16xf32> to vector<16xf32>
        %get3A_101 = arith.index_cast %scan3A_31 : i32 to index
        %get3A_102 = arith.constant 64 : index
        %get3A_103 = tpu.vector_load %arg11[%get3A_101, %get3A_102] {strides = array<i32>} : memref<80x128xf32, #tpu.memory_space<vmem>>, vector<1x16xf32>,
        %get3A_104 = vector.shape_cast %get3A_103 : vector<1x16xf32> to vector<16xf32>
        %add3A_105 = arith.addf %get3A_100, %get3A_104 : vector<16xf32>
        %max3A_106 = arith.constant 0.000000e+00 : f32
        %max3A_107 = vector.broadcast %max3A_106 : f32 to vector<16xf32>
        %max3A_108 = arith.maximumf %add3A_105, %max3A_107 : vector<16xf32>
        %swap3A_109 = arith.index_cast %scan3A_31 : i32 to index
        %swap3A_110 = arith.constant 64 : index
        %swap3A_111 = tpu.vector_load %arg11[%swap3A_109, %swap3A_110] {strides = array<i32>} : memref<80x128xf32, #tpu.memory_space<vmem>>, vector<1x16xf32>,
        %swap3A_112 = vector.shape_cast %swap3A_111 : vector<1x16xf32> to vector<16xf32>
        %swap3A_113 = vector.shape_cast %max3A_108 : vector<16xf32> to vector<1x16xf32>
        tpu.vector_store %arg11[%swap3A_109, %swap3A_110], %swap3A_113 {strides = array<i32>} : memref<80x128xf32, #tpu.memory_space<vmem>>, vector<1x16xf32>,
        %get3A_114 = arith.index_cast %scan3A_31 : i32 to index
        %get3A_115 = arith.constant 80 : index
        %get3A_116 = tpu.vector_load %arg10[%get3A_114, %get3A_115] {strides = array<i32>} : memref<80x128xf32, #tpu.memory_space<vmem>>, vector<1x16xf32>,
        %get3A_117 = vector.shape_cast %get3A_116 : vector<1x16xf32> to vector<16xf32>
        %get3A_118 = arith.index_cast %scan3A_31 : i32 to index
        %get3A_119 = arith.constant 80 : index
        %get3A_120 = tpu.vector_load %arg11[%get3A_118, %get3A_119] {strides = array<i32>} : memref<80x128xf32, #tpu.memory_space<vmem>>, vector<1x16xf32>,
        %get3A_121 = vector.shape_cast %get3A_120 : vector<1x16xf32> to vector<16xf32>
        %add3A_122 = arith.addf %get3A_117, %get3A_121 : vector<16xf32>
        %max3A_123 = arith.constant 0.000000e+00 : f32
        %max3A_124 = vector.broadcast %max3A_123 : f32 to vector<16xf32>
        %max3A_125 = arith.maximumf %add3A_122, %max3A_124 : vector<16xf32>
        %swap3A_126 = arith.index_cast %scan3A_31 : i32 to index
        %swap3A_127 = arith.constant 80 : index
        %swap3A_128 = tpu.vector_load %arg11[%swap3A_126, %swap3A_127] {strides = array<i32>} : memref<80x128xf32, #tpu.memory_space<vmem>>, vector<1x16xf32>,
        %swap3A_129 = vector.shape_cast %swap3A_128 : vector<1x16xf32> to vector<16xf32>
        %swap3A_130 = vector.shape_cast %max3A_125 : vector<16xf32> to vector<1x16xf32>
        tpu.vector_store %arg11[%swap3A_126, %swap3A_127], %swap3A_130 {strides = array<i32>} : memref<80x128xf32, #tpu.memory_space<vmem>>, vector<1x16xf32>,
        %get3A_131 = arith.index_cast %scan3A_31 : i32 to index
        %get3A_132 = arith.constant 96 : index
        %get3A_133 = tpu.vector_load %arg10[%get3A_131, %get3A_132] {strides = array<i32>} : memref<80x128xf32, #tpu.memory_space<vmem>>, vector<1x16xf32>,
        %get3A_134 = vector.shape_cast %get3A_133 : vector<1x16xf32> to vector<16xf32>
        %get3A_135 = arith.index_cast %scan3A_31 : i32 to index
        %get3A_136 = arith.constant 96 : index
        %get3A_137 = tpu.vector_load %arg11[%get3A_135, %get3A_136] {strides = array<i32>} : memref<80x128xf32, #tpu.memory_space<vmem>>, vector<1x16xf32>,
        %get3A_138 = vector.shape_cast %get3A_137 : vector<1x16xf32> to vector<16xf32>
        %add3A_139 = arith.addf %get3A_134, %get3A_138 : vector<16xf32>
        %max3A_140 = arith.constant 0.000000e+00 : f32
        %max3A_141 = vector.broadcast %max3A_140 : f32 to vector<16xf32>
        %max3A_142 = arith.maximumf %add3A_139, %max3A_141 : vector<16xf32>
        %swap3A_143 = arith.index_cast %scan3A_31 : i32 to index
        %swap3A_144 = arith.constant 96 : index
        %swap3A_145 = tpu.vector_load %arg11[%swap3A_143, %swap3A_144] {strides = array<i32>} : memref<80x128xf32, #tpu.memory_space<vmem>>, vector<1x16xf32>,
        %swap3A_146 = vector.shape_cast %swap3A_145 : vector<1x16xf32> to vector<16xf32>
        %swap3A_147 = vector.shape_cast %max3A_142 : vector<16xf32> to vector<1x16xf32>
        tpu.vector_store %arg11[%swap3A_143, %swap3A_144], %swap3A_147 {strides = array<i32>} : memref<80x128xf32, #tpu.memory_space<vmem>>, vector<1x16xf32>,
        %get3A_148 = arith.index_cast %scan3A_31 : i32 to index
        %get3A_149 = arith.constant 112 : index
        %get3A_150 = tpu.vector_load %arg10[%get3A_148, %get3A_149] {strides = array<i32>} : memref<80x128xf32, #tpu.memory_space<vmem>>, vector<1x16xf32>,
        %get3A_151 = vector.shape_cast %get3A_150 : vector<1x16xf32> to vector<16xf32>
        %get3A_152 = arith.index_cast %scan3A_31 : i32 to index
        %get3A_153 = arith.constant 112 : index
        %get3A_154 = tpu.vector_load %arg11[%get3A_152, %get3A_153] {strides = array<i32>} : memref<80x128xf32, #tpu.memory_space<vmem>>, vector<1x16xf32>,
        %get3A_155 = vector.shape_cast %get3A_154 : vector<1x16xf32> to vector<16xf32>
        %add3A_156 = arith.addf %get3A_151, %get3A_155 : vector<16xf32>
        %max3A_157 = arith.constant 0.000000e+00 : f32
        %max3A_158 = vector.broadcast %max3A_157 : f32 to vector<16xf32>
        %max3A_159 = arith.maximumf %add3A_156, %max3A_158 : vector<16xf32>
        %swap3A_160 = arith.index_cast %scan3A_31 : i32 to index
        %swap3A_161 = arith.constant 112 : index
        %swap3A_162 = tpu.vector_load %arg11[%swap3A_160, %swap3A_161] {strides = array<i32>} : memref<80x128xf32, #tpu.memory_space<vmem>>, vector<1x16xf32>,
        %swap3A_163 = vector.shape_cast %swap3A_162 : vector<1x16xf32> to vector<16xf32>
        %swap3A_164 = vector.shape_cast %max3A_159 : vector<16xf32> to vector<1x16xf32>
        tpu.vector_store %arg11[%swap3A_160, %swap3A_161], %swap3A_164 {strides = array<i32>} : memref<80x128xf32, #tpu.memory_space<vmem>>, vector<1x16xf32>,
      }
      %scan3A_30 = arith.constant 80 : i32
      "tpu.region"() ({
        %run_scoped3A = tpu.sem_alloc : memref<!tpu.dma_semaphore, #tpu.memory_space<semaphore_mem>>
        %dma_start3A_31 = arith.constant 0 : i32
        %dma_start3A_32 = arith.constant 0 : i32
        %dma_start3A_33 = tpu.memref_slice %arg12[%dma_start3A_31, %dma_start3A_32] : memref<10240x128xf32, #tpu.memory_space<vmem_shared>> -> memref<10240x128xf32, #tpu.memory_space<vmem_shared>>
        tpu.enqueue_indirect_dma source(%arg11 : memref<80x128xf32, #tpu.memory_space<vmem>>) target(%dma_start3A_33 : memref<10240x128xf32, #tpu.memory_space<vmem_shared>>) offsets(%arg9 : memref<80xi32, #tpu.memory_space<vmem>>) semaphore(%run_scoped3A : memref<!tpu.dma_semaphore, #tpu.memory_space<semaphore_mem>>) {add = true}
        %dma_wait3A_34 = arith.constant 0 : i32
        %dma_wait3A_35 = arith.constant 0 : i32
        %dma_wait3A_36 = tpu.memref_slice %arg12[%dma_wait3A_34, %dma_wait3A_35] : memref<10240x128xf32, #tpu.memory_space<vmem_shared>> -> memref<10240x128xf32, #tpu.memory_space<vmem_shared>>
        tpu.wait_indirect_dma semaphore(%run_scoped3A : memref<!tpu.dma_semaphore, #tpu.memory_space<semaphore_mem>>) src(%arg11 : memref<80x128xf32, #tpu.memory_space<vmem>>) dst(%dma_wait3A_36 : memref<10240x128xf32, #tpu.memory_space<vmem_shared>>)
        tpu.yield
      }) : () -> ()
    }
    %scan3A_11 = arith.constant 125 : i32
    %barrier3A_12 = arith.constant 0 : index
    tpu.barrier barrier_id(%barrier3A_12)
    %mul3A_13 = arith.constant 640 : i32
    %mul3A_14 = arith.muli %arg1, %mul3A_13 : i32
    %mul3A_15 = arith.constant 640 : i32
    %mul3A_16 = arith.muli %arg1, %mul3A_15 : i32
    "tpu.region"() ({
      %run_scoped3A = tpu.sem_alloc : memref<!tpu.dma_semaphore, #tpu.memory_space<semaphore_mem>>
      %dma_start3A = arith.constant 0 : i32
      %dma_start3A_17 = tpu.memref_slice %arg7[%arg0, %mul3A_16, %dma_start3A] : memref<2x10240x128xf32, #tpu.memory_space<hbm>> -> memref<1x640x128xf32, #tpu.memory_space<hbm>>
      %dma_start3A_18 = tpu.memref_squeeze %dma_start3A_17 : memref<1x640x128xf32, #tpu.memory_space<hbm>> -> memref<640x128xf32, #tpu.memory_space<hbm>>
      %dma_start3A_19 = arith.constant 0 : i32
      %dma_start3A_20 = tpu.memref_slice %arg12[%mul3A_14, %dma_start3A_19] : memref<10240x128xf32, #tpu.memory_space<vmem_shared>> -> memref<640x128xf32, #tpu.memory_space<vmem_shared>>
      tpu.enqueue_dma source(%dma_start3A_20 : memref<640x128xf32, #tpu.memory_space<vmem_shared>>) target(%dma_start3A_18 : memref<640x128xf32, #tpu.memory_space<hbm>>) target_semaphore(%run_scoped3A : memref<!tpu.dma_semaphore, #tpu.memory_space<semaphore_mem>>)
      %dma_wait3A = arith.constant 0 : i32
      %dma_wait3A_21 = tpu.memref_slice %arg7[%arg0, %mul3A_16, %dma_wait3A] : memref<2x10240x128xf32, #tpu.memory_space<hbm>> -> memref<1x640x128xf32, #tpu.memory_space<hbm>>
      %dma_wait3A_22 = tpu.memref_squeeze %dma_wait3A_21 : memref<1x640x128xf32, #tpu.memory_space<hbm>> -> memref<640x128xf32, #tpu.memory_space<hbm>>
      %dma_wait3A_23 = arith.constant 0 : i32
      %dma_wait3A_24 = tpu.memref_slice %arg12[%mul3A_14, %dma_wait3A_23] : memref<10240x128xf32, #tpu.memory_space<vmem_shared>> -> memref<640x128xf32, #tpu.memory_space<vmem_shared>>
      tpu.wait_dma2 semaphore(%run_scoped3A : memref<!tpu.dma_semaphore, #tpu.memory_space<semaphore_mem>>) src(%dma_wait3A_24 : memref<640x128xf32, #tpu.memory_space<vmem_shared>>) dst(%dma_wait3A_22 : memref<640x128xf32, #tpu.memory_space<hbm>>)
      tpu.yield
    }) : () -> ()
    return
  }
}

module attributes {stable_mosaic.version = 14 : i64} {
  func.func @_edge_mlp_body(%arg0: i32, %arg1: memref<3200x16xf32, #tpu.memory_space<vmem>>, %arg2: memref<16x128xf32, #tpu.memory_space<vmem>>, %arg3: memref<1x128xf32, #tpu.memory_space<vmem>>, %arg4: memref<128x128xf32, #tpu.memory_space<vmem>>, %arg5: memref<1x128xf32, #tpu.memory_space<vmem>>, %arg6: memref<3200x128xf32, #tpu.memory_space<vmem>>) attributes {dimension_semantics = [#tpu.dimension_semantics<arbitrary>], iteration_bounds = array<i64: 100>, scalar_prefetch = 0 : i64, scratch_operands = 0 : i64, tpu.core_type = #tpu.core_type<tc>, window_params = [{transform_indices = @transform_0, window_bounds = array<i64: 3200, 16>}, {pipeline_mode = #tpu.pipeline_mode<synchronous>, transform_indices = @transform_1, window_bounds = array<i64: 16, 128>}, {pipeline_mode = #tpu.pipeline_mode<synchronous>, transform_indices = @transform_2, window_bounds = array<i64: 1, 128>}, {pipeline_mode = #tpu.pipeline_mode<synchronous>, transform_indices = @transform_3, window_bounds = array<i64: 128, 128>}, {pipeline_mode = #tpu.pipeline_mode<synchronous>, transform_indices = @transform_4, window_bounds = array<i64: 1, 128>}, {transform_indices = @transform_5, window_bounds = array<i64: 3200, 128>}]} {
    %get3A = arith.constant 0 : index
    %get3A_0 = arith.constant 0 : index
    %get3A_1 = vector.load %arg1[%get3A, %get3A_0] : memref<3200x16xf32, #tpu.memory_space<vmem>>, vector<3200x16xf32>
    %get3A_2 = arith.constant 0 : index
    %get3A_3 = arith.constant 0 : index
    %get3A_4 = vector.load %arg2[%get3A_2, %get3A_3] : memref<16x128xf32, #tpu.memory_space<vmem>>, vector<16x128xf32>
    %dot_general3A = arith.constant dense<0.000000e+00> : vector<3200x128xf32>
    %dot_general3A_5 = tpu.matmul %get3A_1, %get3A_4, %dot_general3A {dimension_numbers = #tpu.dot_dimension_numbers<[1], [0], [0], [1], [0, 0, 1, 1], [], []>, transpose_lhs_hint = false} : vector<3200x16xf32>, vector<16x128xf32>, vector<3200x128xf32> -> vector<3200x128xf32>
    %get3A_6 = arith.constant 0 : index
    %get3A_7 = arith.constant 0 : index
    %get3A_8 = vector.load %arg3[%get3A_6, %get3A_7] : memref<1x128xf32, #tpu.memory_space<vmem>>, vector<1x128xf32>
    %add3A = vector.broadcast %get3A_8 : vector<1x128xf32> to vector<3200x128xf32>
    %add3A_9 = arith.addf %dot_general3A_5, %add3A : vector<3200x128xf32>
    %max3A = arith.constant 0.000000e+00 : f32
    %max3A_10 = vector.broadcast %max3A : f32 to vector<3200x128xf32>
    %max3A_11 = arith.maximumf %add3A_9, %max3A_10 : vector<3200x128xf32>
    %get3A_12 = arith.constant 0 : index
    %get3A_13 = arith.constant 0 : index
    %get3A_14 = vector.load %arg4[%get3A_12, %get3A_13] : memref<128x128xf32, #tpu.memory_space<vmem>>, vector<128x128xf32>
    %dot_general3A_15 = arith.constant dense<0.000000e+00> : vector<3200x128xf32>
    %dot_general3A_16 = tpu.matmul %max3A_11, %get3A_14, %dot_general3A_15 {dimension_numbers = #tpu.dot_dimension_numbers<[1], [0], [0], [1], [0, 0, 1, 1], [], []>, transpose_lhs_hint = false} : vector<3200x128xf32>, vector<128x128xf32>, vector<3200x128xf32> -> vector<3200x128xf32>
    %get3A_17 = arith.constant 0 : index
    %get3A_18 = arith.constant 0 : index
    %get3A_19 = vector.load %arg5[%get3A_17, %get3A_18] : memref<1x128xf32, #tpu.memory_space<vmem>>, vector<1x128xf32>
    %add3A_20 = vector.broadcast %get3A_19 : vector<1x128xf32> to vector<3200x128xf32>
    %add3A_21 = arith.addf %dot_general3A_16, %add3A_20 : vector<3200x128xf32>
    %swap3A = arith.constant 0 : index
    %swap3A_22 = arith.constant 0 : index
    %swap3A_23 = vector.load %arg6[%swap3A, %swap3A_22] : memref<3200x128xf32, #tpu.memory_space<vmem>>, vector<3200x128xf32>
    tpu.vector_store %arg6[%swap3A, %swap3A_22], %add3A_21 {strides = array<i32>} : memref<3200x128xf32, #tpu.memory_space<vmem>>, vector<3200x128xf32>,
    return
  }
  func.func @transform_0(%arg0: i32) -> (i32, i32) {
    %c0_i32 = arith.constant 0 : i32
    %c0_i32_0 = arith.constant 0 : i32
    return %arg0, %c0_i32 : i32, i32
  }
  func.func @transform_1(%arg0: i32) -> (i32, i32) {
    %c0_i32 = arith.constant 0 : i32
    %c0_i32_0 = arith.constant 0 : i32
    %c0_i32_1 = arith.constant 0 : i32
    return %c0_i32, %c0_i32_0 : i32, i32
  }
  func.func @transform_2(%arg0: i32) -> (i32, i32) {
    %c0_i32 = arith.constant 0 : i32
    %c0_i32_0 = arith.constant 0 : i32
    %c0_i32_1 = arith.constant 0 : i32
    return %c0_i32, %c0_i32_0 : i32, i32
  }
  func.func @transform_3(%arg0: i32) -> (i32, i32) {
    %c0_i32 = arith.constant 0 : i32
    %c0_i32_0 = arith.constant 0 : i32
    %c0_i32_1 = arith.constant 0 : i32
    return %c0_i32, %c0_i32_0 : i32, i32
  }
  func.func @transform_4(%arg0: i32) -> (i32, i32) {
    %c0_i32 = arith.constant 0 : i32
    %c0_i32_0 = arith.constant 0 : i32
    %c0_i32_1 = arith.constant 0 : i32
    return %c0_i32, %c0_i32_0 : i32, i32
  }
  func.func @transform_5(%arg0: i32) -> (i32, i32) {
    %c0_i32 = arith.constant 0 : i32
    %c0_i32_0 = arith.constant 0 : i32
    return %arg0, %c0_i32 : i32, i32
  }
}

module attributes {stable_mosaic.version = 14 : i64} {
  func.func @_node_mlp_body(%arg0: memref<10000x1xi32, #tpu.memory_space<vmem>>, %arg1: memref<1x128xf32, #tpu.memory_space<vmem>>, %arg2: memref<1x128xf32, #tpu.memory_space<vmem>>, %arg3: memref<128x128xf32, #tpu.memory_space<vmem>>, %arg4: memref<1x128xf32, #tpu.memory_space<vmem>>, %arg5: memref<10000x128xf32, #tpu.memory_space<vmem>>) attributes {dimension_semantics = [], scalar_prefetch = 0 : i64, scratch_operands = 0 : i64, tpu.core_type = #tpu.core_type<tc>} {
    %get3A = arith.constant 0 : index
    %get3A_0 = arith.constant 0 : index
    %get3A_1 = vector.load %arg0[%get3A, %get3A_0] : memref<10000x1xi32, #tpu.memory_space<vmem>>, vector<10000x1xi32>
    %convert_element_type3A = arith.sitofp %get3A_1 : vector<10000x1xi32> to vector<10000x1xf32>
    %div3A = arith.constant 2.81474977E+14 : f32
    %div3A_2 = vector.broadcast %div3A : f32 to vector<10000x1xf32>
    %div3A_3 = arith.divf %convert_element_type3A, %div3A_2 : vector<10000x1xf32>
    %jit3A = arith.constant 0.000000e+00 : f32
    %jit3A_4 = arith.constant 1.000000e+00 : f32
    %max3A = vector.broadcast %jit3A : f32 to vector<10000x1xf32>
    %max3A_5 = arith.maximumf %max3A, %div3A_3 : vector<10000x1xf32>
    %min3A = vector.broadcast %jit3A_4 : f32 to vector<10000x1xf32>
    %min3A_6 = arith.minimumf %min3A, %max3A_5 : vector<10000x1xf32>
    %get3A_7 = arith.constant 0 : index
    %get3A_8 = arith.constant 0 : index
    %get3A_9 = vector.load %arg1[%get3A_7, %get3A_8] : memref<1x128xf32, #tpu.memory_space<vmem>>, vector<1x128xf32>
    %mul3A = vector.broadcast %min3A_6 : vector<10000x1xf32> to vector<10000x128xf32>
    %mul3A_10 = vector.broadcast %get3A_9 : vector<1x128xf32> to vector<10000x128xf32>
    %mul3A_11 = arith.mulf %mul3A, %mul3A_10 : vector<10000x128xf32>
    %get3A_12 = arith.constant 0 : index
    %get3A_13 = arith.constant 0 : index
    %get3A_14 = vector.load %arg2[%get3A_12, %get3A_13] : memref<1x128xf32, #tpu.memory_space<vmem>>, vector<1x128xf32>
    %add3A = vector.broadcast %get3A_14 : vector<1x128xf32> to vector<10000x128xf32>
    %add3A_15 = arith.addf %mul3A_11, %add3A : vector<10000x128xf32>
    %max3A_16 = arith.constant 0.000000e+00 : f32
    %max3A_17 = vector.broadcast %max3A_16 : f32 to vector<10000x128xf32>
    %max3A_18 = arith.maximumf %add3A_15, %max3A_17 : vector<10000x128xf32>
    %get3A_19 = arith.constant 0 : index
    %get3A_20 = arith.constant 0 : index
    %get3A_21 = vector.load %arg3[%get3A_19, %get3A_20] : memref<128x128xf32, #tpu.memory_space<vmem>>, vector<128x128xf32>
    %dot_general3A = arith.constant dense<0.000000e+00> : vector<10000x128xf32>
    %dot_general3A_22 = tpu.matmul %max3A_18, %get3A_21, %dot_general3A {dimension_numbers = #tpu.dot_dimension_numbers<[1], [0], [0], [1], [0, 0, 1, 1], [], []>, transpose_lhs_hint = false} : vector<10000x128xf32>, vector<128x128xf32>, vector<10000x128xf32> -> vector<10000x128xf32>
    %get3A_23 = arith.constant 0 : index
    %get3A_24 = arith.constant 0 : index
    %get3A_25 = vector.load %arg4[%get3A_23, %get3A_24] : memref<1x128xf32, #tpu.memory_space<vmem>>, vector<1x128xf32>
    %add3A_26 = vector.broadcast %get3A_25 : vector<1x128xf32> to vector<10000x128xf32>
    %add3A_27 = arith.addf %dot_general3A_22, %add3A_26 : vector<10000x128xf32>
    %swap3A = arith.constant 0 : index
    %swap3A_28 = arith.constant 0 : index
    %swap3A_29 = vector.load %arg5[%swap3A, %swap3A_28] : memref<10000x128xf32, #tpu.memory_space<vmem>>, vector<10000x128xf32>
    tpu.vector_store %arg5[%swap3A, %swap3A_28], %add3A_27 {strides = array<i32>} : memref<10000x128xf32, #tpu.memory_space<vmem>>, vector<10000x128xf32>,
    return
  }
}

module attributes {stable_mosaic.version = 14 : i64} {
  func.func @_update_body(%arg0: i32, %arg1: memref<2000x128xf32, #tpu.memory_space<vmem>>, %arg2: memref<2x2000x128xf32, #tpu.memory_space<vmem>>, %arg3: memref<128x128xf32, #tpu.memory_space<vmem>>, %arg4: memref<1x128xf32, #tpu.memory_space<vmem>>, %arg5: memref<128x128xf32, #tpu.memory_space<vmem>>, %arg6: memref<1x128xf32, #tpu.memory_space<vmem>>, %arg7: memref<2000x128xf32, #tpu.memory_space<vmem>>) attributes {dimension_semantics = [#tpu.dimension_semantics<arbitrary>], iteration_bounds = array<i64: 5>, scalar_prefetch = 0 : i64, scratch_operands = 0 : i64, tpu.core_type = #tpu.core_type<tc>, window_params = [{transform_indices = @transform_0, window_bounds = array<i64: 2000, 128>}, {transform_indices = @transform_1, window_bounds = array<i64: 2, 2000, 128>}, {pipeline_mode = #tpu.pipeline_mode<synchronous>, transform_indices = @transform_2, window_bounds = array<i64: 128, 128>}, {pipeline_mode = #tpu.pipeline_mode<synchronous>, transform_indices = @transform_3, window_bounds = array<i64: 1, 128>}, {pipeline_mode = #tpu.pipeline_mode<synchronous>, transform_indices = @transform_4, window_bounds = array<i64: 128, 128>}, {pipeline_mode = #tpu.pipeline_mode<synchronous>, transform_indices = @transform_5, window_bounds = array<i64: 1, 128>}, {transform_indices = @transform_6, window_bounds = array<i64: 2000, 128>}]} {
    %get3A = arith.constant 0 : index
    %get3A_0 = arith.constant 0 : index
    %get3A_1 = vector.load %arg1[%get3A, %get3A_0] : memref<2000x128xf32, #tpu.memory_space<vmem>>, vector<2000x128xf32>
    %get3A_2 = arith.constant 0 : index
    %get3A_3 = arith.constant 0 : index
    %get3A_4 = arith.constant 0 : index
    %get3A_5 = vector.load %arg2[%get3A_2, %get3A_3, %get3A_4] : memref<2x2000x128xf32, #tpu.memory_space<vmem>>, vector<1x2000x128xf32>
    %get3A_6 = vector.shape_cast %get3A_5 : vector<1x2000x128xf32> to vector<2000x128xf32>
    %add3A = arith.addf %get3A_1, %get3A_6 : vector<2000x128xf32>
    %get3A_7 = arith.constant 1 : index
    %get3A_8 = arith.constant 0 : index
    %get3A_9 = arith.constant 0 : index
    %get3A_10 = vector.load %arg2[%get3A_7, %get3A_8, %get3A_9] : memref<2x2000x128xf32, #tpu.memory_space<vmem>>, vector<1x2000x128xf32>
    %get3A_11 = vector.shape_cast %get3A_10 : vector<1x2000x128xf32> to vector<2000x128xf32>
    %add3A_12 = arith.addf %add3A, %get3A_11 : vector<2000x128xf32>
    %get3A_13 = arith.constant 0 : index
    %get3A_14 = arith.constant 0 : index
    %get3A_15 = vector.load %arg3[%get3A_13, %get3A_14] : memref<128x128xf32, #tpu.memory_space<vmem>>, vector<128x128xf32>
    %dot_general3A = arith.constant dense<0.000000e+00> : vector<2000x128xf32>
    %dot_general3A_16 = tpu.matmul %add3A_12, %get3A_15, %dot_general3A {dimension_numbers = #tpu.dot_dimension_numbers<[1], [0], [0], [1], [0, 0, 1, 1], [], []>, transpose_lhs_hint = false} : vector<2000x128xf32>, vector<128x128xf32>, vector<2000x128xf32> -> vector<2000x128xf32>
    %get3A_17 = arith.constant 0 : index
    %get3A_18 = arith.constant 0 : index
    %get3A_19 = vector.load %arg4[%get3A_17, %get3A_18] : memref<1x128xf32, #tpu.memory_space<vmem>>, vector<1x128xf32>
    %add3A_20 = vector.broadcast %get3A_19 : vector<1x128xf32> to vector<2000x128xf32>
    %add3A_21 = arith.addf %dot_general3A_16, %add3A_20 : vector<2000x128xf32>
    %max3A = arith.constant 0.000000e+00 : f32
    %max3A_22 = vector.broadcast %max3A : f32 to vector<2000x128xf32>
    %max3A_23 = arith.maximumf %add3A_21, %max3A_22 : vector<2000x128xf32>
    %get3A_24 = arith.constant 0 : index
    %get3A_25 = arith.constant 0 : index
    %get3A_26 = vector.load %arg5[%get3A_24, %get3A_25] : memref<128x128xf32, #tpu.memory_space<vmem>>, vector<128x128xf32>
    %dot_general3A_27 = arith.constant dense<0.000000e+00> : vector<2000x128xf32>
    %dot_general3A_28 = tpu.matmul %max3A_23, %get3A_26, %dot_general3A_27 {dimension_numbers = #tpu.dot_dimension_numbers<[1], [0], [0], [1], [0, 0, 1, 1], [], []>, transpose_lhs_hint = false} : vector<2000x128xf32>, vector<128x128xf32>, vector<2000x128xf32> -> vector<2000x128xf32>
    %get3A_29 = arith.constant 0 : index
    %get3A_30 = arith.constant 0 : index
    %get3A_31 = vector.load %arg6[%get3A_29, %get3A_30] : memref<1x128xf32, #tpu.memory_space<vmem>>, vector<1x128xf32>
    %add3A_32 = vector.broadcast %get3A_31 : vector<1x128xf32> to vector<2000x128xf32>
    %add3A_33 = arith.addf %dot_general3A_28, %add3A_32 : vector<2000x128xf32>
    %max3A_34 = arith.constant 0.000000e+00 : f32
    %max3A_35 = vector.broadcast %max3A_34 : f32 to vector<2000x128xf32>
    %max3A_36 = arith.maximumf %add3A_33, %max3A_35 : vector<2000x128xf32>
    %swap3A = arith.constant 0 : index
    %swap3A_37 = arith.constant 0 : index
    %swap3A_38 = vector.load %arg7[%swap3A, %swap3A_37] : memref<2000x128xf32, #tpu.memory_space<vmem>>, vector<2000x128xf32>
    tpu.vector_store %arg7[%swap3A, %swap3A_37], %max3A_36 {strides = array<i32>} : memref<2000x128xf32, #tpu.memory_space<vmem>>, vector<2000x128xf32>,
    return
  }
  func.func @transform_0(%arg0: i32) -> (i32, i32) {
    %c0_i32 = arith.constant 0 : i32
    %c0_i32_0 = arith.constant 0 : i32
    return %arg0, %c0_i32 : i32, i32
  }
  func.func @transform_1(%arg0: i32) -> (i32, i32, i32) {
    %c0_i32 = arith.constant 0 : i32
    %c0_i32_0 = arith.constant 0 : i32
    %c0_i32_1 = arith.constant 0 : i32
    return %c0_i32, %arg0, %c0_i32_0 : i32, i32, i32
  }
  func.func @transform_2(%arg0: i32) -> (i32, i32) {
    %c0_i32 = arith.constant 0 : i32
    %c0_i32_0 = arith.constant 0 : i32
    %c0_i32_1 = arith.constant 0 : i32
    return %c0_i32, %c0_i32_0 : i32, i32
  }
  func.func @transform_3(%arg0: i32) -> (i32, i32) {
    %c0_i32 = arith.constant 0 : i32
    %c0_i32_0 = arith.constant 0 : i32
    %c0_i32_1 = arith.constant 0 : i32
    return %c0_i32, %c0_i32_0 : i32, i32
  }
  func.func @transform_4(%arg0: i32) -> (i32, i32) {
    %c0_i32 = arith.constant 0 : i32
    %c0_i32_0 = arith.constant 0 : i32
    %c0_i32_1 = arith.constant 0 : i32
    return %c0_i32, %c0_i32_0 : i32, i32
  }
  func.func @transform_5(%arg0: i32) -> (i32, i32) {
    %c0_i32 = arith.constant 0 : i32
    %c0_i32_0 = arith.constant 0 : i32
    %c0_i32_1 = arith.constant 0 : i32
    return %c0_i32, %c0_i32_0 : i32, i32
  }
  func.func @transform_6(%arg0: i32) -> (i32, i32) {
    %c0_i32 = arith.constant 0 : i32
    %c0_i32_0 = arith.constant 0 : i32
    return %arg0, %c0_i32 : i32, i32
  }
}

module attributes {stable_mosaic.version = 14 : i64} {
  func.func @_pool_head_body(%arg0: memref<10000x128xf32, #tpu.memory_space<vmem>>, %arg1: memref<10000x1xi32, #tpu.memory_space<vmem>>, %arg2: memref<64x1xf32, #tpu.memory_space<vmem>>, %arg3: memref<128x128xf32, #tpu.memory_space<vmem>>, %arg4: memref<1x128xf32, #tpu.memory_space<vmem>>, %arg5: memref<1x128xf32, #tpu.memory_space<vmem>>, %arg6: memref<128x1xf32, #tpu.memory_space<vmem>>, %arg7: memref<1x1xf32, #tpu.memory_space<vmem>>, %arg8: memref<64x1xf32, #tpu.memory_space<vmem>>) attributes {dimension_semantics = [], scalar_prefetch = 0 : i64, scratch_operands = 0 : i64, tpu.core_type = #tpu.core_type<tc>} {
    %get3A = arith.constant 0 : index
    %get3A_0 = arith.constant 0 : index
    %get3A_1 = vector.load %arg0[%get3A, %get3A_0] : memref<10000x128xf32, #tpu.memory_space<vmem>>, vector<10000x128xf32>
    %get3A_2 = arith.constant 0 : index
    %get3A_3 = arith.constant 0 : index
    %get3A_4 = vector.load %arg1[%get3A_2, %get3A_3] : memref<10000x1xi32, #tpu.memory_space<vmem>>, vector<10000x1xi32>
    %iota3A = tpu.iota {dimensions = array<i32: 1>} : vector<10000x64xi32>
    %eq3A = vector.broadcast %get3A_4 : vector<10000x1xi32> to vector<10000x64xi32>
    %eq3A_5 = arith.cmpi eq, %eq3A, %iota3A : vector<10000x64xi32>
    %convert_element_type3A = arith.extui %eq3A_5 : vector<10000x64xi1> to vector<10000x64xi32>
    %convert_element_type3A_6 = arith.sitofp %convert_element_type3A : vector<10000x64xi32> to vector<10000x64xf32>
    %convert_element_type3A_7 = arith.truncf %get3A_1 : vector<10000x128xf32> to vector<10000x128xbf16>
    %convert_element_type3A_8 = arith.extf %convert_element_type3A_7 : vector<10000x128xbf16> to vector<10000x128xf32>
    %sub3A = arith.subf %get3A_1, %convert_element_type3A_8 : vector<10000x128xf32>
    %convert_element_type3A_9 = arith.truncf %sub3A : vector<10000x128xf32> to vector<10000x128xbf16>
    %convert_element_type3A_10 = arith.truncf %convert_element_type3A_6 : vector<10000x64xf32> to vector<10000x64xbf16>
    %dot_general3A = arith.constant dense<0.000000e+00> : vector<64x128xf32>
    %dot_general3A_11 = tpu.matmul %convert_element_type3A_10, %convert_element_type3A_9, %dot_general3A {dimension_numbers = #tpu.dot_dimension_numbers<[0], [0], [1], [1], [0, 1, 1, 1], [], []>, transpose_lhs_hint = false} : vector<10000x64xbf16>, vector<10000x128xbf16>, vector<64x128xf32> -> vector<64x128xf32>
    %dot_general3A_12 = arith.constant dense<0.000000e+00> : vector<64x128xf32>
    %dot_general3A_13 = tpu.matmul %convert_element_type3A_10, %convert_element_type3A_7, %dot_general3A_12 {dimension_numbers = #tpu.dot_dimension_numbers<[0], [0], [1], [1], [0, 1, 1, 1], [], []>, transpose_lhs_hint = false} : vector<10000x64xbf16>, vector<10000x128xbf16>, vector<64x128xf32> -> vector<64x128xf32>
    %add3A = arith.addf %dot_general3A_11, %dot_general3A_13 : vector<64x128xf32>
    %reduce_sum3A = arith.constant dense<0.000000e+00> : vector<64xf32>
    %reduce_sum3A_14 = vector.multi_reduction <add>, %convert_element_type3A_6, %reduce_sum3A [0] : vector<10000x64xf32> to vector<64xf32>
    %broadcast_in_dim3A = vector.shape_cast %reduce_sum3A_14 : vector<64xf32> to vector<64x1xf32>
    %max3A = arith.constant 1.000000e+00 : f32
    %max3A_15 = vector.broadcast %max3A : f32 to vector<64x1xf32>
    %max3A_16 = arith.maximumf %broadcast_in_dim3A, %max3A_15 : vector<64x1xf32>
    %div3A = vector.broadcast %max3A_16 : vector<64x1xf32> to vector<64x128xf32>
    %div3A_17 = arith.divf %add3A, %div3A : vector<64x128xf32>
    %get3A_18 = arith.constant 0 : index
    %get3A_19 = arith.constant 0 : index
    %get3A_20 = vector.load %arg3[%get3A_18, %get3A_19] : memref<128x128xf32, #tpu.memory_space<vmem>>, vector<128x128xf32>
    %dot_general3A_21 = arith.constant dense<0.000000e+00> : vector<64x128xf32>
    %dot_general3A_22 = tpu.matmul %div3A_17, %get3A_20, %dot_general3A_21 {dimension_numbers = #tpu.dot_dimension_numbers<[1], [0], [0], [1], [0, 0, 1, 1], [], []>, transpose_lhs_hint = false} : vector<64x128xf32>, vector<128x128xf32>, vector<64x128xf32> -> vector<64x128xf32>
    %get3A_23 = arith.constant 0 : index
    %get3A_24 = arith.constant 0 : index
    %get3A_25 = vector.load %arg2[%get3A_23, %get3A_24] : memref<64x1xf32, #tpu.memory_space<vmem>>, vector<64x1xf32>
    %get3A_26 = arith.constant 0 : index
    %get3A_27 = arith.constant 0 : index
    %get3A_28 = vector.load %arg4[%get3A_26, %get3A_27] : memref<1x128xf32, #tpu.memory_space<vmem>>, vector<1x128xf32>
    %mul3A = vector.broadcast %get3A_25 : vector<64x1xf32> to vector<64x128xf32>
    %mul3A_29 = vector.broadcast %get3A_28 : vector<1x128xf32> to vector<64x128xf32>
    %mul3A_30 = arith.mulf %mul3A, %mul3A_29 : vector<64x128xf32>
    %add3A_31 = arith.addf %dot_general3A_22, %mul3A_30 : vector<64x128xf32>
    %get3A_32 = arith.constant 0 : index
    %get3A_33 = arith.constant 0 : index
    %get3A_34 = vector.load %arg5[%get3A_32, %get3A_33] : memref<1x128xf32, #tpu.memory_space<vmem>>, vector<1x128xf32>
    %add3A_35 = vector.broadcast %get3A_34 : vector<1x128xf32> to vector<64x128xf32>
    %add3A_36 = arith.addf %add3A_31, %add3A_35 : vector<64x128xf32>
    %max3A_37 = arith.constant 0.000000e+00 : f32
    %max3A_38 = vector.broadcast %max3A_37 : f32 to vector<64x128xf32>
    %max3A_39 = arith.maximumf %add3A_36, %max3A_38 : vector<64x128xf32>
    %get3A_40 = arith.constant 0 : index
    %get3A_41 = arith.constant 0 : index
    %get3A_42 = vector.load %arg6[%get3A_40, %get3A_41] : memref<128x1xf32, #tpu.memory_space<vmem>>, vector<128x1xf32>
    %dot_general3A_43 = arith.constant dense<0.000000e+00> : vector<64x1xf32>
    %dot_general3A_44 = tpu.matmul %max3A_39, %get3A_42, %dot_general3A_43 {dimension_numbers = #tpu.dot_dimension_numbers<[1], [0], [0], [1], [0, 0, 1, 1], [], []>, transpose_lhs_hint = false} : vector<64x128xf32>, vector<128x1xf32>, vector<64x1xf32> -> vector<64x1xf32>
    %get3A_45 = arith.constant 0 : index
    %get3A_46 = arith.constant 0 : index
    %get3A_47 = vector.load %arg7[%get3A_45, %get3A_46] : memref<1x1xf32, #tpu.memory_space<vmem>>, vector<1x1xf32>
    %add3A_48 = vector.broadcast %get3A_47 : vector<1x1xf32> to vector<64x1xf32>
    %add3A_49 = arith.addf %dot_general3A_44, %add3A_48 : vector<64x1xf32>
    %swap3A = arith.constant 0 : index
    %swap3A_50 = arith.constant 0 : index
    %swap3A_51 = vector.load %arg8[%swap3A, %swap3A_50] : memref<64x1xf32, #tpu.memory_space<vmem>>, vector<64x1xf32>
    tpu.vector_store %arg8[%swap3A, %swap3A_50], %add3A_49 {strides = array<i32>} : memref<64x1xf32, #tpu.memory_space<vmem>>, vector<64x1xf32>,
    return
  }
}

</mosaic_0001>

<sc_bundles>
// kernel: kernel.12.cloned.1.call-start
scs
__scs_entry_jumppad:
0x0: {  	(pc) =	sbr.rel $0x88, $3  }
0x1: {  	(tag) =	ssettag $0x0;
	lr =	simm.s32 $0x1  }
0x2: {  	[smem:$0x3F88] =	sst lr;
	_ =	strace $0xD0000000  }
0x3: {  	_ = 	snop  }
0x4: {  	_ = 	snop  }
0x5: {  	_ = 	snop  }
0x6: {  	_ = 	snop  }
0x7: {  	_ = 	snop  }
__scs_overlays_trampoline_lowered:
0x8: {  	[smem:$0x3F97] =	sst s0  }
0x9: {  	[smem:$0x3F98] =	sst s1  }
0xa: {  	[smem:$0x3F99] =	sst s2  }
0xb: {  	[smem:$0x3F9A] =	sst s3  }
0xc: {  	[smem:$0x3F9B] =	sst s4  }
0xd: {  	[smem:$0x3F9C] =	sst s5  }
0xe: {  	[smem:$0x3F9D] =	sst s6  }
0xf: {  	[smem:$0x3F9E] =	sst s7  }
0x10: {  	[smem:$0x3F9F] =	sst s8  }
0x11: {  	[smem:$0x3FA0] =	sst s9;
	s0 =	simm.s32 @!p0 $0x0  }
0x12: {  	s1 =	sld [smem:$0x3F86];
	s0 =	simm.s32 @p0 $0x1  }
0x13: {  	[smem:$0x3FA1] =	sst s0;
	s0 =	simm.s32 @!p1 $0x0  }
0x14: {  	s2 =	sld [smem:$0x3F85];
	s0 =	simm.s32 @p1 $0x1  }
0x15: {  	[smem:$0x3FA2] =	sst s0;
	s0 =	simm.s32 @!p2 $0x0  }
0x16: {  	s3 =	sld [smem:$0x3FDB];
	s0 =	simm.s32 @p2 $0x1  }
0x17: {  	s4 =	simm.s32 $0x1BF5;
	[smem:$0x3FA4] =	sst s0  }
0x18: {  	s0 =	sld [smem:$0x3F87];
	_ =	swait.ge [sflag:s4], $0x0  }
0x19: {  	s7 =	sld [smem:$0x3F88]  }
0x1a: {  	s8 =	sadd.s32 $0xFFFFE003, lr  }
0x1b: {  	s9 =	sadd.s32 $0xFFFFFEF7, lr;
	s5 =	simm.s32 $0xFFFFFFFF;
	p2 =	slt.u32 s8, $0xFFFFF086  }
0x1c: {  	p1 =	slt.u32 s9, $0xF7A;
	s5 =	simm.s32 @!p2 $0x0  }
0x1d: {  	s5 =	simm.s32 @p1 $0x1;
	p0 =	seq.s32 s7, s2  }
0x1e: {  	s7 =	smul.u32 @!p0 $0xF7A, s2;
	p2 =	seq.s32 @!p0 s5, $0x0  }
0x1f: {  	s9 =	smul.u32 $0xF7A, s1;
	s8 =	simm.s32 @!p0 $0x1BF5;
	p2 =	por !p2, p0  }
0x20: {  	[sflag:s8] =	ssyncset.s32 @!p0 $0xFFFFF086;
	s6 =	sadd.s32 @!p0 s3, s7;
	s7 =	simm.s32 @!p0 $0x108  }
0x21: {  	s3 =	sadd.s32 s3, s9;
	s6 =	sadd.s32 @!p0 $0x88, s6;
	s7 =	simm.s32 @p2 $0x1082  }
0x22: {  	[simem:s7], [sflag:s8] =	dma.local @!p0 [hbm:s6], $0xF7A  }
0x23: {  	s9 =	sor.u32 $0xD0000000, s2;
	s6 =	simm.s32 $0x108;
	_ =	swait.ge @!p0 [sflag:s8], $0x0  }
0x24: {  	s3 =	sadd.s32 $0x88, s3;
	s6 =	simm.s32 @!p1 $0x1082;
	[sflag:s4] =	ssyncset.s32 $0xFFFFF086  }
0x25: {  	[simem:s6], [sflag:s4] =	dma.local [hbm:s3], $0xF7A  }
0x26: {  	[smem:$0x3F88] =	sst s1;
	(tag) =	ssettag s2;
	_ =	strace s9  }
0x27: {  	s1 =	sld [smem:$0x3F98]  }
0x28: {  	s2 =	sld [smem:$0x3F99]  }
0x29: {  	s4 =	sld [smem:$0x3F9B]  }
0x2a: {  	p0 =	seq.s32 s5, $0x0;
	s5 =	sld [smem:$0x3F9C]  }
0x2b: {  	s6 =	sld [smem:$0x3F9D]  }
0x2c: {  	s7 =	sld [smem:$0x3F9E]  }
0x2d: {  	s3 =	simm.s32 $0x108;
	s8 =	sld [smem:$0x3F9F]  }
0x2e: {  	s3 =	simm.s32 @!p0 $0x1082;
	s9 =	sld [smem:$0x3FA0]  }
0x2f: {  	lr =	sadd.s32 s0, s3;
	s0 =	sld [smem:$0x3F97]  }
0x30: {  	s3 =	sld [smem:$0x3F9A]  }
0x31: {  	[smem:$0x3FA3] =	sst s10  }
0x32: {  	s10 =	sld [smem:$0x3FA1];
	_ =	sdelay $0x3  }
0x33: {  	p0 =	seq.s32 s10, $0x1;
	s10 =	sld [smem:$0x3FA3];
	_ =	sdelay $0x3  }
0x34: {  	[smem:$0x3FA3] =	sst s10  }
0x35: {  	s10 =	sld [smem:$0x3FA2];
	_ =	sdelay $0x3  }
0x36: {  	p1 =	seq.s32 s10, $0x1;
	s10 =	sld [smem:$0x3FA3];
	_ =	sdelay $0x3  }
0x37: {  	[smem:$0x3FA3] =	sst s10  }
0x38: {  	s10 =	sld [smem:$0x3FA4]  }
0x39: {  	_ = 	snop;
	(pc) =	sbr.ind lr, $3  }
0x3a: {  	_ = 	snop  }
0x3b: {  	_ = 	snop  }
0x3c: {  	p2 =	seq.s32 s10, $0x1;
	s10 =	sld [smem:$0x3FA3]  }
0x3d: {  	_ =	shalt  }
0x3e: {  	_ =	shalt  }
0x3f: {  	_ =	shalt  }
0x40: {  	_ =	shalt  }
0x41: {  	_ =	shalt  }
0x42: {  	_ =	shalt  }
0x43: {  	_ =	shalt  }
0x44: {  	_ =	shalt  }
0x45: {  	_ =	shalt  }
0x46: {  	_ =	shalt  }
0x47: {  	_ =	shalt  }
0x48: {  	_ =	shalt  }
0x49: {  	_ =	shalt  }
0x4a: {  	_ =	shalt  }
0x4b: {  	_ =	shalt  }
0x4c: {  	_ =	shalt  }
0x4d: {  	_ =	shalt  }
0x4e: {  	_ =	shalt  }
0x4f: {  	_ =	shalt  }
0x50: {  	_ =	shalt  }
0x51: {  	_ =	shalt  }
0x52: {  	_ =	shalt  }
0x53: {  	_ =	shalt  }
0x54: {  	_ =	shalt  }
0x55: {  	_ =	shalt  }
0x56: {  	_ =	shalt  }
0x57: {  	_ =	shalt  }
0x58: {  	_ =	shalt  }
0x59: {  	_ =	shalt  }
0x5a: {  	_ =	shalt  }
0x5b: {  	_ =	shalt  }
0x5c: {  	_ =	shalt  }
0x5d: {  	_ =	shalt  }
0x5e: {  	_ =	shalt  }
0x5f: {  	_ =	shalt  }
0x60: {  	_ =	shalt  }
0x61: {  	_ =	shalt  }
0x62: {  	_ =	shalt  }
0x63: {  	_ =	shalt  }
0x64: {  	_ =	shalt  }
0x65: {  	_ =	shalt  }
0x66: {  	_ =	shalt  }
0x67: {  	_ =	shalt  }
0x68: {  	_ =	shalt  }
0x69: {  	_ =	shalt  }
0x6a: {  	_ =	shalt  }
0x6b: {  	_ =	shalt  }
0x6c: {  	_ =	shalt  }
0x6d: {  	_ =	shalt  }
0x6e: {  	_ =	shalt  }
0x6f: {  	_ =	shalt  }
0x70: {  	_ =	shalt  }
0x71: {  	_ =	shalt  }
0x72: {  	_ =	shalt  }
0x73: {  	_ =	shalt  }
0x74: {  	_ =	shalt  }
0x75: {  	_ =	shalt  }
0x76: {  	_ =	shalt  }
0x77: {  	_ =	shalt  }
0x78: {  	_ =	shalt  }
0x79: {  	_ =	shalt  }
0x7a: {  	_ =	shalt  }
0x7b: {  	_ =	shalt  }
0x7c: {  	_ =	shalt  }
0x7d: {  	_ =	shalt  }
0x7e: {  	_ =	shalt  }
0x7f: {  	_ =	shalt  }
0x80: {  	_ =	shalt  }
0x81: {  	_ =	shalt  }
0x82: {  	_ =	shalt  }
0x83: {  	_ =	shalt  }
0x84: {  	_ =	shalt  }
0x85: {  	_ =	shalt  }
0x86: {  	_ =	shalt  }
0x87: {  	_ =	shalt  }
.Lfunc_end0:
.L_simem_size_0:
called_computation.1_lowered:
.L_overlay_start_0:
0x88: {  	s2 =	sld [smem:$0x3FD9]  }
0x89: {  	s3 =	sld [smem:$0x3FFE];
	_ =	sdelay $0x1  }
0x8a: {  	s1 =	srdreg.scid  }
0x8b: {  	s0 =	sand.u32 $0x1, s1  }
0x8c: {  	s16 =	sshll.u32 s0, $0xA;
	s2 =	sadd.s32 s3, s2  }
0x8d: {  	s2 =	sadd.s32 s2, s16  }
0x8e: {  	[smem:$0x3FAF] =	sst s2  }
0x8f: {  	_ = 	snop  }
0x90: {  	(tm) =	ssettm $0x1  }
0x91: {  	s17 =	sld [smem:$0x3FFB];
	_ =	sdelay $0x3  }
0x92: {  	_ =	strace s17  }
0x93: {  	s2 =	sld [smem:$0x3FFC];
	_ =	sdelay $0x3  }
0x94: {  	_ =	strace s2  }
0x95: {  	s2 =	sld [smem:$0x3FFD];
	_ =	sdelay $0x3  }
0x96: {  	_ =	strace s2  }
0x97: {  	_ =	strace $0x8FFFFFFF  }
0x98: {  	s18 =	sld [smem:$0x3FDB];
	_ =	sdelay $0x1  }
0x99: {  	s19 =	simm.s32 $_scs_section_size  }
0x9a: {  	s4 =	simm.s32 $_size__tile_overlayer_lowered;
	s5 =	simm.s32 $_tile_overlayer_lowered  }
0x9b: {  	s22 =	simm.s32 $0x1BFF;
	s21 =	sshll.u32 s5, $0x1;
	s2 =	sadd.s32 s19, s18  }
0x9c: {  	s6 =	simm.s32 $0x0;
	s20 =	sshll.u32 s4, $0x1;
	s4 =	sadd.s32 s21, s2  }
0x9d: {  	[timem:s6], [sflag:s22] =	dma.local [hbm:s4], s20  }
0x9e: {  	_ =	swait.ge [sflag:s22], s20  }
0x9f: {  	s3 =	ssub.s32 $0x0, s20;
	[sflag:s22] =	ssyncset.done $0x0  }
0xa0: {  	[sflag:s22] =	ssyncadd.s32 s3;
	_ =	sdelay $0x1  }
0xa1: {  	s23 =	simm.s32 $0x1B8B  }
0xa2: {  	_ =	swait.ge [sflag:s23], $0x1  }
0xa3: {  	[sflag:s23] =	ssyncset.done $0x0  }
0xa4: {  	s25 =	simm.s32 $0x1B8E;
	s24 =	sld [smem:$0x3FFE];
	[sflag:s23] =	ssyncadd.s32 $0xFFFFFFFF  }
0xa5: {  	s26 =	simm.s32 $execute0_lowered;
	[smem:$0x3FD2] =	sst s25  }
0xa6: {  	s4 =	sshll.u32 s26, $0x1;
	_ =	strace $0x80000049;
	[dreg:$0x1] =	wrdreg $0xFFFFFFFF  }
0xa7: {  	s28 =	simm.s32 $_size_execute0_lowered;
	s2 =	sadd.s32 s2, s4;
	[dreg:$0x0] =	wrdreg $0x0  }
0xa8: {  	s4 =	sshll.u32 s28, $0x1;
	[dreg:$0x2] =	wrdreg s2  }
0xa9: {  	[dreg:$0x3] =	wrdreg s4  }
0xaa: {  	[dreg:$0x4] =	wrdreg $0xC0  }
0xab: {  	_ =	task [dreg:s6], $0x5FFFF  }
0xac: {  	[dreg:$0x1] =	wrdreg $0xFFFFFFFF  }
0xad: {  	[dreg:$0x0] =	wrdreg $0x60  }
0xae: {  	[dreg:$0x2] =	wrdreg s24  }
0xaf: {  	[dreg:$0x3] =	wrdreg $0x51000  }
0xb0: {  	[dreg:$0x4] =	wrdreg $0x9  }
0xb1: {  	_ =	task.clear_ibuf [dreg:s6], $0x5FFFF;
	_ =	strace $0x90000049  }
0xb2: {  	s29 =	simm.s32 $0x9;
	_ =	strace $0x8000004B  }
0xb3: {  	_ =	swait.ge [sflag:s29], $0x1  }
0xb4: {  	[sflag:s29] =	ssyncadd.s32 $0xFFFFFFFF  }
0xb5: {  	_ =	strace $0x9000004B  }
0xb6: {  	_ =	sfence  }
0xb7: {  	s30 =	sld [smem:$0x0];
	_ =	sdelay $0x2  }
0xb8: {  	s31 =	sshll.u32 s1, $0xD;
	s1 =	sshrl.u32 s1, $0x2  }
0xb9: {  	s3 =	sand.u32 $0x4000, s31;
	s1 =	sadd.s32 s1, s30  }
0xba: {  	s0 =	sor.u32 s3, s0;
	s1 =	sshll.u32 s1, $0x11  }
0xbb: {  	s0 =	sor.u32 s1, s0  }
0xbc: {  	s0 =	sadd.s32 $0x8F2B, s0  }
0xbd: {  	[sflag:s0] =	ssyncadd.remote.s32 $0x1  }
0xbe: {  	_ =	sfence.sel $0xFFFF  }
0xbf: {  	[dreg:$0x0] =	wrdreg $0xFFFFFFFF;
	(pc) =	sbr.abs _section_cstart, $3  }
0xc0: {  	[dreg:$0x1] =	wrdreg $0xFFFFFFFF  }
0xc1: {  	_ =	task.clear_ibuf [dreg:s6], $0x2FFFF;
	_ =	strace $0x9FFFFFFF  }
0xc2: {  	(tm) =	ssettm $0x7FFFFFFF  }
0xc3: {  	_ =	shalt  }
tec
execute0_lowered:
.L_overlay_start_1:
0x0: {  	(tag) =	ssettag $0x1  }
0x1: {  	s8 =	rddreg [dreg:$0x0]  }
0x2: {  	s2 =	rddreg [dreg:$0x1]  }
0x3: {  	s0 =	rddreg [dreg:$0x2]  }
0x4: {  	s3 =	simm.s32 $0x0;
	s1 =	stileid.u32;
	s4 =	srdreg.scid  }
0x5: {  	s17 =	simm.s32 $0x100;
	s18 =	simm.s32 $0x2900;
	s19 =	simm.s32 $0x1  }
0x6: {  	s24 =	simm.s32 $0x0;
	[smem:$0x7FF] =	sst s3;
	s9 =	smul.u32 $0x14000, s1  }
0x7: {  	s10 =	sand.u32 $0x1, s4;
	s4 =	sadd.s32 $0x16E00, s8;
	s5 =	sadd.s32 $0x4F8E00, s8  }
0x8: {  	s6 =	sadd.s32 $0xD000, s8;
	s7 =	sadd.s32 $0x3200, s8;
	s14 =	sshll.u32 s1, $0x1  }
0x9: {  	s15 =	smul.u32 $0x50000, s1;
	s30 =	sshll.u32 s1, $0x6;
	_ =	strace $0x8000004A  }
0xa: {  	s11 =	smul.u32 $0x140000, s10;
	s26 =	ssub.s32 $0x2, s10;
	s28 =	sor.u32 s10, s14  }
0xb: {  	s10 =	sor.u32 $0x1C02, s30;
	s14 =	simm.s32 $0x2;
	s12 =	sshrl.u32 s9, $0x3  }
0xc: {  	s13 =	sshrl.u32 s26, $0x1;
	s29 =	sshrl.u32 s15, $0x2;
	s15 =	simm.s32 $0x80  }
0xd: {  	s9 =	sadd.s32 s9, s11;
	s25 =	sadd.s32 s12, s8;
	s12 =	ssub.s32 s26, s13  }
0xe: {  	s31 =	sadd.s32 s29, s2;
	s9 =	sshrl.u32 s9, $0x3;
	s12 =	smax.u32 s12, $0x1  }
0xf: {  	s13 =	sshrl.u32 s31, $0x3;
	s16 =	sadd.s32 s9, s8;
	s8 =	smul.u32 $0x2710, s28  }
0x10: {  	s9 =	sadd.s32 $0x3E000, s25;
	s11 =	sadd.s32 $0x66000, s16;
	s16 =	simm.s32 $0x50  }
.LBB2_1:
0x11: {  	[spmem:s13], [sflag:s10] =	dma.local [hbm:s9], $0x2800  }
0x12: {  	_ =	swait.ge [sflag:s14], $0x2800  }
0x13: {  	[sflag:s14] =	ssyncset.done $0x0  }
0x14: {  	[sflag:s14] =	ssyncadd.s32 $0xFFFFD800  }
0x15: {  	s20 =	simm.s32 $0x0;
	[bflag:$0x0] =	sbarrier.arrive $0xFFFF  }
.LBB2_2:
0x16: {  	s21 =	smul.u32 $0x50, s20;
	_ =	sdelay $0x1  }
0x17: {  	s21 =	sadd.s32 s8, s21  }
0x18: {  	s22 =	sshrl.u32 s21, $0x3  }
0x19: {  	s23 =	sadd.s32 s6, s22  }
0x1a: {  	[tilespmem:s24], [sflag:$0x2] =	stream.linear.gather [hbm4b:s23+s24], $0x50, $0x38;
	[tilespmem:$0x19100] =	vst v63  }
0x1b: {  	_ =	swait.ge [sflag:s14], $0x50  }
0x1c: {  	[sflag:s14] =	ssyncset.done $0x0  }
0x1d: {  	s22 =	sadd.s32 s7, s22;
	[sflag:s14] =	ssyncadd.s32 $0xFFFFFFB0  }
0x1e: {  	[tilespmem:s15], [sflag:$0x2] =	stream.linear.gather [hbm4b:s22+s24], $0x50, $0x38;
	[tilespmem:$0x19100] =	vst v63  }
0x1f: {  	_ =	swait.ge [sflag:s14], $0x50  }
0x20: {  	[sflag:s14] =	ssyncset.done $0x0  }
0x21: {  	s21 =	sshll.u32 s21, $0x4;
	[sflag:s14] =	ssyncadd.s32 $0xFFFFFFB0  }
0x22: {  	[tilespmem:s17], [sflag:$0x1] =	stream.indirect.gather [hbm4b:s4+s16], $0x80, s24, s16, $0xb8;
	[tilespmem:$0x19100] =	vst v63  }
0x23: {  	s21 =	sadd.s32 s5, s21  }
0x24: {  	[tilespmem:s18], [sflag:$0x2] =	stream.linear.gather [hbm4b:s21+s24], $0x2800, $0x38;
	[tilespmem:$0x19100] =	vst v63  }
0x25: {  	_ =	swait.ge [sflag:s14], $0x2800  }
0x26: {  	[sflag:s14] =	ssyncset.done $0x0  }
0x27: {  	[sflag:s14] =	ssyncadd.s32 $0xFFFFD800  }
0x28: {  	_ =	swait.ge [sflag:s19], $0x2800  }
0x29: {  	[sflag:s19] =	ssyncset.done $0x0  }
0x2a: {  	s21 =	simm.s32 $0x0;
	[sflag:s19] =	ssyncadd.s32 $0xFFFFD800  }
0x2b: {  	v6 =	vld [tilespmem:s21+$0x100]  }
0x2c: {  	v11 =	vld [tilespmem:s21+$0x110]  }
0x2d: {  	v5 =	vld [tilespmem:s21+$0x120]  }
0x2e: {  	v4 =	vld [tilespmem:s21+$0x130]  }
0x2f: {  	v3 =	vld [tilespmem:s21+$0x140]  }
0x30: {  	v2 =	vld [tilespmem:s21+$0x150]  }
0x31: {  	v1 =	vld [tilespmem:s21+$0x160]  }
0x32: {  	v0 =	vld [tilespmem:s21+$0x170]  }
0x33: {  	v12 =	vld [tilespmem:s21+$0x2900]  }
0x34: {  	v13 =	vld [tilespmem:s21+$0x2910]  }
0x35: {  	v10 =	vld [tilespmem:s21+$0x2920]  }
0x36: {  	v9 =	vld [tilespmem:s21+$0x2930]  }
0x37: {  	v8 =	vld [tilespmem:s21+$0x2940]  }
0x38: {  	v7 =	vld [tilespmem:s21+$0x2950];
	v12 =	vadd.f32 v12, v6  }
0x39: {  	s22 =	simm.s32 $0x200;
	v11 =	vadd.f32 v13, v11;
	v6 =	vld [tilespmem:s21+$0x2960]  }
.LBB2_3:
0x3a: {  	s23 =	sshra.s32 s22, $0x2;
	p0 =	sne.s32 s22, $0x9E00;
	v12 =	vmax.f32 v12, $0.0e+00;
	v5 =	vadd.f32 v10, v5;
	v10 =	vld [tilespmem:s21+$0x2970]  }
0x3b: {  	v13 =	vld [tilespmem:s23+$0x100];
	[tilespmem:s21+$0x2900] =	vst v12;
	v11 =	vmax.f32 v11, $0.0e+00;
	v4 =	vadd.f32 v9, v4  }
0x3c: {  	v14 =	vld [tilespmem:s23+$0x110];
	[tilespmem:s21+$0x2910] =	vst v11;
	v9 =	vmax.f32 v5, $0.0e+00;
	v3 =	vadd.f32 v8, v3  }
0x3d: {  	v5 =	vld [tilespmem:s23+$0x120];
	[tilespmem:s21+$0x2920] =	vst v9;
	v8 =	vmax.f32 v4, $0.0e+00;
	v2 =	vadd.f32 v7, v2  }
0x3e: {  	v4 =	vld [tilespmem:s23+$0x130];
	[tilespmem:s21+$0x2930] =	vst v8;
	v7 =	vmax.f32 v3, $0.0e+00;
	v1 =	vadd.f32 v6, v1  }
0x3f: {  	v3 =	vld [tilespmem:s23+$0x140];
	[tilespmem:s21+$0x2940] =	vst v7;
	v6 =	vmax.f32 v2, $0.0e+00;
	v0 =	vadd.f32 v10, v0  }
0x40: {  	v2 =	vld [tilespmem:s23+$0x150];
	[tilespmem:s21+$0x2950] =	vst v6;
	v6 =	vmax.f32 v1, $0.0e+00  }
0x41: {  	v1 =	vld [tilespmem:s23+$0x160];
	[tilespmem:s21+$0x2960] =	vst v6;
	v6 =	vmax.f32 v0, $0.0e+00  }
0x42: {  	v0 =	vld [tilespmem:s23+$0x170];
	[tilespmem:s21+$0x2970] =	vst v6;
	s21 =	smov.u32 s23  }
0x43: {  	v6 =	vld [tilespmem:s21+$0x2900]  }
0x44: {  	v11 =	vld [tilespmem:s21+$0x2910]  }
.Ltmp0:
0x45: {  	v10 =	vld [tilespmem:s21+$0x2920];
	(pc) =	sbr.rel @p0 .LBB2_3-.Ltmp0, $4  }
0x46: {  	v9 =	vld [tilespmem:s21+$0x2930]  }
0x47: {  	v8 =	vld [tilespmem:s21+$0x2940]  }
0x48: {  	v12 =	vadd.f32 v6, v13;
	v7 =	vld [tilespmem:s21+$0x2950]  }
0x49: {  	s22 =	sadd.s32 $0x200, s22;
	v11 =	vadd.f32 v11, v14;
	v6 =	vld [tilespmem:s21+$0x2960]  }
0x4a: {  	v12 =	vmax.f32 v12, $0.0e+00;
	v5 =	vadd.f32 v10, v5;
	v63 =	vld [tilespmem:s21+$0x2970]  }
0x4b: {  	[tilespmem:s21+$0x2900] =	vst v12;
	v11 =	vmax.f32 v11, $0.0e+00;
	v4 =	vadd.f32 v9, v4  }
0x4c: {  	[tilespmem:s21+$0x2910] =	vst v11;
	v5 =	vmax.f32 v5, $0.0e+00;
	v3 =	vadd.f32 v8, v3  }
0x4d: {  	[tilespmem:s21+$0x2920] =	vst v5;
	v4 =	vmax.f32 v4, $0.0e+00;
	v2 =	vadd.f32 v7, v2  }
0x4e: {  	[tilespmem:s21+$0x2930] =	vst v4;
	v3 =	vmax.f32 v3, $0.0e+00;
	v1 =	vadd.f32 v6, v1  }
0x4f: {  	[tilespmem:s21+$0x2940] =	vst v3;
	v2 =	vmax.f32 v2, $0.0e+00;
	v0 =	vadd.f32 v63, v0  }
0x50: {  	s20 =	sadd.s32 $0x1, s20;
	[tilespmem:s21+$0x2950] =	vst v2;
	v1 =	vmax.f32 v1, $0.0e+00  }
0x51: {  	p0 =	sne.s32 s20, $0x7D;
	[tilespmem:s21+$0x2960] =	vst v1;
	v0 =	vmax.f32 v0, $0.0e+00  }
.Ltmp1:
0x52: {  	[tilespmem:s21+$0x2970] =	vst v0;
	(pc) =	sbr.rel @p0 .LBB2_2-.Ltmp1, $4  }
0x53: {  	[spmem:s2] =	stream.indirect.scatter.add.f32 [tilespmem:s18], [sflag:$0x2], $0x80, s15, s16, $0xb8;
	[tilespmem:$0x19100] =	vst v63  }
0x54: {  	_ =	swait.ge [sflag:s14], $0x2800  }
0x55: {  	[sflag:s14] =	ssyncset.done $0x0  }
0x56: {  	[sflag:s14] =	ssyncadd.s32 $0xFFFFD800  }
0x57: {  	s3 =	sadd.s32 $0x1, s3  }
0x58: {  	p0 =	sne.s32 s3, s12  }
.Ltmp2:
0x59: {  	[bflag:$0x0] =	sbarrier.arrive $0xFFFF;
	(pc) =	sbr.rel @p0 .LBB2_1-.Ltmp2, $4  }
0x5a: {  	[hbm:s11], [sflag:s10] =	dma.local [spmem:s13], $0x2800  }
0x5b: {  	_ =	swait.ge [sflag:s14], $0x2800  }
0x5c: {  	[sflag:s14] =	ssyncset.done $0x0  }
0x5d: {  	[sflag:s14] =	ssyncadd.s32 $0xFFFFD800  }
0x5e: {  	_ =	sfence.sel $0x180000  }
0x5f: {  	[bflag:$0x0] =	sbarrier.arrive $0xFFFF  }
0x60: {  	p0 =	sne.s32 s1, $0x0;
	_ =	strace $0x9000004A  }
0x61: {  	s0 =	sadd.s32 @!p0 $0x100000, s0;
	[bflag:$0x2] =	sbarrier.arrive $0xFFFF  }
0x62: {  	[sflag:s0] =	ssyncadd.tile.s32 @!p0 $0x1;
	_ =	shalt  }
.Lfunc_end2:
_tile_overlayer_lowered:
.L_overlay_start_2:
0x63: {  	(tag) =	ssettag $0x2  }
0x64: {  	s0 =	rddreg [dreg:$0x0];
	s2 =	stileid.u32  }
0x65: {  	s1 =	rddreg [dreg:$0x1];
	p0 =	sne.s32 s2, $0x0  }
0x66: {  	s3 =	rddreg [dreg:$0x2];
	[bflag:$0x3] =	sbarrier.arrive $0xFFFF;
	s2 =	simm.s32 @!p0 $0x1C02  }
0x67: {  	[timem:s3], [sflag:s2] =	dma.local @!p0 [hbm:s0], s1  }
0x68: {  	s0 =	simm.s32 @!p0 $0x2  }
0x69: {  	_ =	swait.ge @!p0 [sflag:s0], s1  }
0x6a: {  	s1 =	ssub.s32 @!p0 $0x0, s1;
	[sflag:s0] =	ssyncset.done @!p0 $0x0  }
0x6b: {  	[sflag:s0] =	ssyncadd.s32 @!p0 s1  }
0x6c: {  	[bflag:$0x3] =	sbarrier.arrive $0xFFFF  }
0x6d: {  	_ =	shalt  }

// kernel: kernel.9.cloned.1.call-start
scs
__scs_entry_jumppad:
0x0: {  	(pc) =	sbr.rel $0x88, $3  }
0x1: {  	(tag) =	ssettag $0x0;
	lr =	simm.s32 $0x1  }
0x2: {  	[smem:$0x3F88] =	sst lr;
	_ =	strace $0xD0000000  }
0x3: {  	_ = 	snop  }
0x4: {  	_ = 	snop  }
0x5: {  	_ = 	snop  }
0x6: {  	_ = 	snop  }
0x7: {  	_ = 	snop  }
__scs_overlays_trampoline_lowered:
0x8: {  	[smem:$0x3F97] =	sst s0  }
0x9: {  	[smem:$0x3F98] =	sst s1  }
0xa: {  	[smem:$0x3F99] =	sst s2  }
0xb: {  	[smem:$0x3F9A] =	sst s3  }
0xc: {  	[smem:$0x3F9B] =	sst s4  }
0xd: {  	[smem:$0x3F9C] =	sst s5  }
0xe: {  	[smem:$0x3F9D] =	sst s6  }
0xf: {  	[smem:$0x3F9E] =	sst s7  }
0x10: {  	[smem:$0x3F9F] =	sst s8  }
0x11: {  	[smem:$0x3FA0] =	sst s9;
	s0 =	simm.s32 @!p0 $0x0  }
0x12: {  	s1 =	sld [smem:$0x3F86];
	s0 =	simm.s32 @p0 $0x1  }
0x13: {  	[smem:$0x3FA1] =	sst s0;
	s0 =	simm.s32 @!p1 $0x0  }
0x14: {  	s2 =	sld [smem:$0x3F85];
	s0 =	simm.s32 @p1 $0x1  }
0x15: {  	[smem:$0x3FA2] =	sst s0;
	s0 =	simm.s32 @!p2 $0x0  }
0x16: {  	s3 =	sld [smem:$0x3FDB];
	s0 =	simm.s32 @p2 $0x1  }
0x17: {  	s4 =	simm.s32 $0x1BF5;
	[smem:$0x3FA4] =	sst s0  }
0x18: {  	s0 =	sld [smem:$0x3F87];
	_ =	swait.ge [sflag:s4], $0x0  }
0x19: {  	s7 =	sld [smem:$0x3F88]  }
0x1a: {  	s8 =	sadd.s32 $0xFFFFE003, lr  }
0x1b: {  	s9 =	sadd.s32 $0xFFFFFEF7, lr;
	s5 =	simm.s32 $0xFFFFFFFF;
	p2 =	slt.u32 s8, $0xFFFFF086  }
0x1c: {  	p1 =	slt.u32 s9, $0xF7A;
	s5 =	simm.s32 @!p2 $0x0  }
0x1d: {  	s5 =	simm.s32 @p1 $0x1;
	p0 =	seq.s32 s7, s2  }
0x1e: {  	s7 =	smul.u32 @!p0 $0xF7A, s2;
	p2 =	seq.s32 @!p0 s5, $0x0  }
0x1f: {  	s9 =	smul.u32 $0xF7A, s1;
	s8 =	simm.s32 @!p0 $0x1BF5;
	p2 =	por !p2, p0  }
0x20: {  	[sflag:s8] =	ssyncset.s32 @!p0 $0xFFFFF086;
	s6 =	sadd.s32 @!p0 s3, s7;
	s7 =	simm.s32 @!p0 $0x108  }
0x21: {  	s3 =	sadd.s32 s3, s9;
	s6 =	sadd.s32 @!p0 $0x88, s6;
	s7 =	simm.s32 @p2 $0x1082  }
0x22: {  	[simem:s7], [sflag:s8] =	dma.local @!p0 [hbm:s6], $0xF7A  }
0x23: {  	s9 =	sor.u32 $0xD0000000, s2;
	s6 =	simm.s32 $0x108;
	_ =	swait.ge @!p0 [sflag:s8], $0x0  }
0x24: {  	s3 =	sadd.s32 $0x88, s3;
	s6 =	simm.s32 @!p1 $0x1082;
	[sflag:s4] =	ssyncset.s32 $0xFFFFF086  }
0x25: {  	[simem:s6], [sflag:s4] =	dma.local [hbm:s3], $0xF7A  }
0x26: {  	[smem:$0x3F88] =	sst s1;
	(tag) =	ssettag s2;
	_ =	strace s9  }
0x27: {  	s1 =	sld [smem:$0x3F98]  }
0x28: {  	s2 =	sld [smem:$0x3F99]  }
0x29: {  	s4 =	sld [smem:$0x3F9B]  }
0x2a: {  	p0 =	seq.s32 s5, $0x0;
	s5 =	sld [smem:$0x3F9C]  }
0x2b: {  	s6 =	sld [smem:$0x3F9D]  }
0x2c: {  	s7 =	sld [smem:$0x3F9E]  }
0x2d: {  	s3 =	simm.s32 $0x108;
	s8 =	sld [smem:$0x3F9F]  }
0x2e: {  	s3 =	simm.s32 @!p0 $0x1082;
	s9 =	sld [smem:$0x3FA0]  }
0x2f: {  	lr =	sadd.s32 s0, s3;
	s0 =	sld [smem:$0x3F97]  }
0x30: {  	s3 =	sld [smem:$0x3F9A]  }
0x31: {  	[smem:$0x3FA3] =	sst s10  }
0x32: {  	s10 =	sld [smem:$0x3FA1];
	_ =	sdelay $0x3  }
0x33: {  	p0 =	seq.s32 s10, $0x1;
	s10 =	sld [smem:$0x3FA3];
	_ =	sdelay $0x3  }
0x34: {  	[smem:$0x3FA3] =	sst s10  }
0x35: {  	s10 =	sld [smem:$0x3FA2];
	_ =	sdelay $0x3  }
0x36: {  	p1 =	seq.s32 s10, $0x1;
	s10 =	sld [smem:$0x3FA3];
	_ =	sdelay $0x3  }
0x37: {  	[smem:$0x3FA3] =	sst s10  }
0x38: {  	s10 =	sld [smem:$0x3FA4]  }
0x39: {  	_ = 	snop;
	(pc) =	sbr.ind lr, $3  }
0x3a: {  	_ = 	snop  }
0x3b: {  	_ = 	snop  }
0x3c: {  	p2 =	seq.s32 s10, $0x1;
	s10 =	sld [smem:$0x3FA3]  }
0x3d: {  	_ =	shalt  }
0x3e: {  	_ =	shalt  }
0x3f: {  	_ =	shalt  }
0x40: {  	_ =	shalt  }
0x41: {  	_ =	shalt  }
0x42: {  	_ =	shalt  }
0x43: {  	_ =	shalt  }
0x44: {  	_ =	shalt  }
0x45: {  	_ =	shalt  }
0x46: {  	_ =	shalt  }
0x47: {  	_ =	shalt  }
0x48: {  	_ =	shalt  }
0x49: {  	_ =	shalt  }
0x4a: {  	_ =	shalt  }
0x4b: {  	_ =	shalt  }
0x4c: {  	_ =	shalt  }
0x4d: {  	_ =	shalt  }
0x4e: {  	_ =	shalt  }
0x4f: {  	_ =	shalt  }
0x50: {  	_ =	shalt  }
0x51: {  	_ =	shalt  }
0x52: {  	_ =	shalt  }
0x53: {  	_ =	shalt  }
0x54: {  	_ =	shalt  }
0x55: {  	_ =	shalt  }
0x56: {  	_ =	shalt  }
0x57: {  	_ =	shalt  }
0x58: {  	_ =	shalt  }
0x59: {  	_ =	shalt  }
0x5a: {  	_ =	shalt  }
0x5b: {  	_ =	shalt  }
0x5c: {  	_ =	shalt  }
0x5d: {  	_ =	shalt  }
0x5e: {  	_ =	shalt  }
0x5f: {  	_ =	shalt  }
0x60: {  	_ =	shalt  }
0x61: {  	_ =	shalt  }
0x62: {  	_ =	shalt  }
0x63: {  	_ =	shalt  }
0x64: {  	_ =	shalt  }
0x65: {  	_ =	shalt  }
0x66: {  	_ =	shalt  }
0x67: {  	_ =	shalt  }
0x68: {  	_ =	shalt  }
0x69: {  	_ =	shalt  }
0x6a: {  	_ =	shalt  }
0x6b: {  	_ =	shalt  }
0x6c: {  	_ =	shalt  }
0x6d: {  	_ =	shalt  }
0x6e: {  	_ =	shalt  }
0x6f: {  	_ =	shalt  }
0x70: {  	_ =	shalt  }
0x71: {  	_ =	shalt  }
0x72: {  	_ =	shalt  }
0x73: {  	_ =	shalt  }
0x74: {  	_ =	shalt  }
0x75: {  	_ =	shalt  }
0x76: {  	_ =	shalt  }
0x77: {  	_ =	shalt  }
0x78: {  	_ =	shalt  }
0x79: {  	_ =	shalt  }
0x7a: {  	_ =	shalt  }
0x7b: {  	_ =	shalt  }
0x7c: {  	_ =	shalt  }
0x7d: {  	_ =	shalt  }
0x7e: {  	_ =	shalt  }
0x7f: {  	_ =	shalt  }
0x80: {  	_ =	shalt  }
0x81: {  	_ =	shalt  }
0x82: {  	_ =	shalt  }
0x83: {  	_ =	shalt  }
0x84: {  	_ =	shalt  }
0x85: {  	_ =	shalt  }
0x86: {  	_ =	shalt  }
0x87: {  	_ =	shalt  }
.Lfunc_end0:
.L_simem_size_0:
called_computation_lowered:
.L_overlay_start_0:
0x88: {  	s2 =	sld [smem:$0x3FD9]  }
0x89: {  	s3 =	sld [smem:$0x3FFE];
	_ =	sdelay $0x1  }
0x8a: {  	s1 =	srdreg.scid  }
0x8b: {  	s0 =	sand.u32 $0x1, s1  }
0x8c: {  	s16 =	sshll.u32 s0, $0xA;
	s2 =	sadd.s32 s3, s2  }
0x8d: {  	s2 =	sadd.s32 s2, s16  }
0x8e: {  	[smem:$0x3FAF] =	sst s2  }
0x8f: {  	_ = 	snop  }
0x90: {  	(tm) =	ssettm $0x1  }
0x91: {  	s17 =	sld [smem:$0x3FFB];
	_ =	sdelay $0x3  }
0x92: {  	_ =	strace s17  }
0x93: {  	s2 =	sld [smem:$0x3FFC];
	_ =	sdelay $0x3  }
0x94: {  	_ =	strace s2  }
0x95: {  	s2 =	sld [smem:$0x3FFD];
	_ =	sdelay $0x3  }
0x96: {  	_ =	strace s2  }
0x97: {  	_ =	strace $0x8FFFFFFF  }
0x98: {  	s18 =	sld [smem:$0x3FDB];
	_ =	sdelay $0x1  }
0x99: {  	s19 =	simm.s32 $_scs_section_size  }
0x9a: {  	s4 =	simm.s32 $_size__tile_overlayer_lowered;
	s5 =	simm.s32 $_tile_overlayer_lowered  }
0x9b: {  	s22 =	simm.s32 $0x1BFF;
	s21 =	sshll.u32 s5, $0x1;
	s2 =	sadd.s32 s19, s18  }
0x9c: {  	s6 =	simm.s32 $0x0;
	s20 =	sshll.u32 s4, $0x1;
	s4 =	sadd.s32 s21, s2  }
0x9d: {  	[timem:s6], [sflag:s22] =	dma.local [hbm:s4], s20  }
0x9e: {  	_ =	swait.ge [sflag:s22], s20  }
0x9f: {  	s3 =	ssub.s32 $0x0, s20;
	[sflag:s22] =	ssyncset.done $0x0  }
0xa0: {  	[sflag:s22] =	ssyncadd.s32 s3;
	_ =	sdelay $0x1  }
0xa1: {  	s23 =	simm.s32 $0x1B8B  }
0xa2: {  	_ =	swait.ge [sflag:s23], $0x1  }
0xa3: {  	[sflag:s23] =	ssyncset.done $0x0  }
0xa4: {  	s25 =	simm.s32 $0x1B8E;
	s24 =	sld [smem:$0x3FFE];
	[sflag:s23] =	ssyncadd.s32 $0xFFFFFFFF  }
0xa5: {  	s26 =	simm.s32 $execute0_lowered;
	[smem:$0x3FD2] =	sst s25  }
0xa6: {  	s4 =	sshll.u32 s26, $0x1;
	_ =	strace $0x80000046;
	[dreg:$0x1] =	wrdreg $0xFFFFFFFF  }
0xa7: {  	s28 =	simm.s32 $_size_execute0_lowered;
	s2 =	sadd.s32 s2, s4;
	[dreg:$0x0] =	wrdreg $0x0  }
0xa8: {  	s4 =	sshll.u32 s28, $0x1;
	[dreg:$0x2] =	wrdreg s2  }
0xa9: {  	[dreg:$0x3] =	wrdreg s4  }
0xaa: {  	[dreg:$0x4] =	wrdreg $0xC0  }
0xab: {  	_ =	task [dreg:s6], $0x5FFFF  }
0xac: {  	[dreg:$0x1] =	wrdreg $0xFFFFFFFF  }
0xad: {  	[dreg:$0x0] =	wrdreg $0x60  }
0xae: {  	[dreg:$0x2] =	wrdreg s24  }
0xaf: {  	[dreg:$0x3] =	wrdreg $0x51000  }
0xb0: {  	[dreg:$0x4] =	wrdreg $0x9  }
0xb1: {  	_ =	task.clear_ibuf [dreg:s6], $0x5FFFF;
	_ =	strace $0x90000046  }
0xb2: {  	s29 =	simm.s32 $0x9;
	_ =	strace $0x80000048  }
0xb3: {  	_ =	swait.ge [sflag:s29], $0x1  }
0xb4: {  	[sflag:s29] =	ssyncadd.s32 $0xFFFFFFFF  }
0xb5: {  	_ =	strace $0x90000048  }
0xb6: {  	_ =	sfence  }
0xb7: {  	s30 =	sld [smem:$0x0];
	_ =	sdelay $0x2  }
0xb8: {  	s31 =	sshll.u32 s1, $0xD;
	s1 =	sshrl.u32 s1, $0x2  }
0xb9: {  	s3 =	sand.u32 $0x4000, s31;
	s1 =	sadd.s32 s1, s30  }
0xba: {  	s0 =	sor.u32 s3, s0;
	s1 =	sshll.u32 s1, $0x11  }
0xbb: {  	s0 =	sor.u32 s1, s0  }
0xbc: {  	s0 =	sadd.s32 $0x8F2B, s0  }
0xbd: {  	[sflag:s0] =	ssyncadd.remote.s32 $0x1  }
0xbe: {  	_ =	sfence.sel $0xFFFF  }
0xbf: {  	[dreg:$0x0] =	wrdreg $0xFFFFFFFF;
	(pc) =	sbr.abs _section_cstart, $3  }
0xc0: {  	[dreg:$0x1] =	wrdreg $0xFFFFFFFF  }
0xc1: {  	_ =	task.clear_ibuf [dreg:s6], $0x2FFFF;
	_ =	strace $0x9FFFFFFF  }
0xc2: {  	(tm) =	ssettm $0x7FFFFFFF  }
0xc3: {  	_ =	shalt  }
tec
execute0_lowered:
.L_overlay_start_1:
0x0: {  	(tag) =	ssettag $0x1  }
0x1: {  	s8 =	rddreg [dreg:$0x0]  }
0x2: {  	s2 =	rddreg [dreg:$0x1]  }
0x3: {  	s0 =	rddreg [dreg:$0x2]  }
0x4: {  	s3 =	simm.s32 $0x0;
	s1 =	stileid.u32;
	s4 =	srdreg.scid  }
0x5: {  	s17 =	simm.s32 $0x100;
	s18 =	simm.s32 $0x2900;
	s19 =	simm.s32 $0x1  }
0x6: {  	s24 =	simm.s32 $0x0;
	[smem:$0x7FF] =	sst s3;
	s9 =	smul.u32 $0x14000, s1  }
0x7: {  	s10 =	sand.u32 $0x1, s4;
	s4 =	sadd.s32 $0x16E00, s8;
	s5 =	sadd.s32 $0x4F8E00, s8  }
0x8: {  	s6 =	sadd.s32 $0xD000, s8;
	s7 =	sadd.s32 $0x3200, s8;
	s14 =	sshll.u32 s1, $0x1  }
0x9: {  	s15 =	smul.u32 $0x50000, s1;
	s30 =	sshll.u32 s1, $0x6;
	_ =	strace $0x80000047  }
0xa: {  	s11 =	smul.u32 $0x140000, s10;
	s26 =	ssub.s32 $0x2, s10;
	s28 =	sor.u32 s10, s14  }
0xb: {  	s10 =	sor.u32 $0x1C02, s30;
	s14 =	simm.s32 $0x2;
	s12 =	sshrl.u32 s9, $0x3  }
0xc: {  	s13 =	sshrl.u32 s26, $0x1;
	s29 =	sshrl.u32 s15, $0x2;
	s15 =	simm.s32 $0x80  }
0xd: {  	s9 =	sadd.s32 s9, s11;
	s25 =	sadd.s32 s12, s8;
	s12 =	ssub.s32 s26, s13  }
0xe: {  	s31 =	sadd.s32 s29, s2;
	s9 =	sshrl.u32 s9, $0x3;
	s12 =	smax.u32 s12, $0x1  }
0xf: {  	s13 =	sshrl.u32 s31, $0x3;
	s16 =	sadd.s32 s9, s8;
	s8 =	smul.u32 $0x2710, s28  }
0x10: {  	s9 =	sadd.s32 $0x3E000, s25;
	s11 =	sadd.s32 $0x66000, s16;
	s16 =	simm.s32 $0x50  }
.LBB2_1:
0x11: {  	[spmem:s13], [sflag:s10] =	dma.local [hbm:s9], $0x2800  }
0x12: {  	_ =	swait.ge [sflag:s14], $0x2800  }
0x13: {  	[sflag:s14] =	ssyncset.done $0x0  }
0x14: {  	[sflag:s14] =	ssyncadd.s32 $0xFFFFD800  }
0x15: {  	s20 =	simm.s32 $0x0;
	[bflag:$0x0] =	sbarrier.arrive $0xFFFF  }
.LBB2_2:
0x16: {  	s21 =	smul.u32 $0x50, s20;
	_ =	sdelay $0x1  }
0x17: {  	s21 =	sadd.s32 s8, s21  }
0x18: {  	s22 =	sshrl.u32 s21, $0x3  }
0x19: {  	s23 =	sadd.s32 s6, s22  }
0x1a: {  	[tilespmem:s24], [sflag:$0x2] =	stream.linear.gather [hbm4b:s23+s24], $0x50, $0x38;
	[tilespmem:$0x19100] =	vst v63  }
0x1b: {  	_ =	swait.ge [sflag:s14], $0x50  }
0x1c: {  	[sflag:s14] =	ssyncset.done $0x0  }
0x1d: {  	s22 =	sadd.s32 s7, s22;
	[sflag:s14] =	ssyncadd.s32 $0xFFFFFFB0  }
0x1e: {  	[tilespmem:s15], [sflag:$0x2] =	stream.linear.gather [hbm4b:s22+s24], $0x50, $0x38;
	[tilespmem:$0x19100] =	vst v63  }
0x1f: {  	_ =	swait.ge [sflag:s14], $0x50  }
0x20: {  	[sflag:s14] =	ssyncset.done $0x0  }
0x21: {  	s21 =	sshll.u32 s21, $0x4;
	[sflag:s14] =	ssyncadd.s32 $0xFFFFFFB0  }
0x22: {  	[tilespmem:s17], [sflag:$0x1] =	stream.indirect.gather [hbm4b:s4+s16], $0x80, s24, s16, $0xb8;
	[tilespmem:$0x19100] =	vst v63  }
0x23: {  	s21 =	sadd.s32 s5, s21  }
0x24: {  	[tilespmem:s18], [sflag:$0x2] =	stream.linear.gather [hbm4b:s21+s24], $0x2800, $0x38;
	[tilespmem:$0x19100] =	vst v63  }
0x25: {  	_ =	swait.ge [sflag:s14], $0x2800  }
0x26: {  	[sflag:s14] =	ssyncset.done $0x0  }
0x27: {  	[sflag:s14] =	ssyncadd.s32 $0xFFFFD800  }
0x28: {  	_ =	swait.ge [sflag:s19], $0x2800  }
0x29: {  	[sflag:s19] =	ssyncset.done $0x0  }
0x2a: {  	s21 =	simm.s32 $0x0;
	[sflag:s19] =	ssyncadd.s32 $0xFFFFD800  }
0x2b: {  	v6 =	vld [tilespmem:s21+$0x100]  }
0x2c: {  	v11 =	vld [tilespmem:s21+$0x110]  }
0x2d: {  	v5 =	vld [tilespmem:s21+$0x120]  }
0x2e: {  	v4 =	vld [tilespmem:s21+$0x130]  }
0x2f: {  	v3 =	vld [tilespmem:s21+$0x140]  }
0x30: {  	v2 =	vld [tilespmem:s21+$0x150]  }
0x31: {  	v1 =	vld [tilespmem:s21+$0x160]  }
0x32: {  	v0 =	vld [tilespmem:s21+$0x170]  }
0x33: {  	v12 =	vld [tilespmem:s21+$0x2900]  }
0x34: {  	v13 =	vld [tilespmem:s21+$0x2910]  }
0x35: {  	v10 =	vld [tilespmem:s21+$0x2920]  }
0x36: {  	v9 =	vld [tilespmem:s21+$0x2930]  }
0x37: {  	v8 =	vld [tilespmem:s21+$0x2940]  }
0x38: {  	v7 =	vld [tilespmem:s21+$0x2950];
	v12 =	vadd.f32 v12, v6  }
0x39: {  	s22 =	simm.s32 $0x200;
	v11 =	vadd.f32 v13, v11;
	v6 =	vld [tilespmem:s21+$0x2960]  }
.LBB2_3:
0x3a: {  	s23 =	sshra.s32 s22, $0x2;
	p0 =	sne.s32 s22, $0x9E00;
	v12 =	vmax.f32 v12, $0.0e+00;
	v5 =	vadd.f32 v10, v5;
	v10 =	vld [tilespmem:s21+$0x2970]  }
0x3b: {  	v13 =	vld [tilespmem:s23+$0x100];
	[tilespmem:s21+$0x2900] =	vst v12;
	v11 =	vmax.f32 v11, $0.0e+00;
	v4 =	vadd.f32 v9, v4  }
0x3c: {  	v14 =	vld [tilespmem:s23+$0x110];
	[tilespmem:s21+$0x2910] =	vst v11;
	v9 =	vmax.f32 v5, $0.0e+00;
	v3 =	vadd.f32 v8, v3  }
0x3d: {  	v5 =	vld [tilespmem:s23+$0x120];
	[tilespmem:s21+$0x2920] =	vst v9;
	v8 =	vmax.f32 v4, $0.0e+00;
	v2 =	vadd.f32 v7, v2  }
0x3e: {  	v4 =	vld [tilespmem:s23+$0x130];
	[tilespmem:s21+$0x2930] =	vst v8;
	v7 =	vmax.f32 v3, $0.0e+00;
	v1 =	vadd.f32 v6, v1  }
0x3f: {  	v3 =	vld [tilespmem:s23+$0x140];
	[tilespmem:s21+$0x2940] =	vst v7;
	v6 =	vmax.f32 v2, $0.0e+00;
	v0 =	vadd.f32 v10, v0  }
0x40: {  	v2 =	vld [tilespmem:s23+$0x150];
	[tilespmem:s21+$0x2950] =	vst v6;
	v6 =	vmax.f32 v1, $0.0e+00  }
0x41: {  	v1 =	vld [tilespmem:s23+$0x160];
	[tilespmem:s21+$0x2960] =	vst v6;
	v6 =	vmax.f32 v0, $0.0e+00  }
0x42: {  	v0 =	vld [tilespmem:s23+$0x170];
	[tilespmem:s21+$0x2970] =	vst v6;
	s21 =	smov.u32 s23  }
0x43: {  	v6 =	vld [tilespmem:s21+$0x2900]  }
0x44: {  	v11 =	vld [tilespmem:s21+$0x2910]  }
.Ltmp0:
0x45: {  	v10 =	vld [tilespmem:s21+$0x2920];
	(pc) =	sbr.rel @p0 .LBB2_3-.Ltmp0, $4  }
0x46: {  	v9 =	vld [tilespmem:s21+$0x2930]  }
0x47: {  	v8 =	vld [tilespmem:s21+$0x2940]  }
0x48: {  	v12 =	vadd.f32 v6, v13;
	v7 =	vld [tilespmem:s21+$0x2950]  }
0x49: {  	s22 =	sadd.s32 $0x200, s22;
	v11 =	vadd.f32 v11, v14;
	v6 =	vld [tilespmem:s21+$0x2960]  }
0x4a: {  	v12 =	vmax.f32 v12, $0.0e+00;
	v5 =	vadd.f32 v10, v5;
	v63 =	vld [tilespmem:s21+$0x2970]  }
0x4b: {  	[tilespmem:s21+$0x2900] =	vst v12;
	v11 =	vmax.f32 v11, $0.0e+00;
	v4 =	vadd.f32 v9, v4  }
0x4c: {  	[tilespmem:s21+$0x2910] =	vst v11;
	v5 =	vmax.f32 v5, $0.0e+00;
	v3 =	vadd.f32 v8, v3  }
0x4d: {  	[tilespmem:s21+$0x2920] =	vst v5;
	v4 =	vmax.f32 v4, $0.0e+00;
	v2 =	vadd.f32 v7, v2  }
0x4e: {  	[tilespmem:s21+$0x2930] =	vst v4;
	v3 =	vmax.f32 v3, $0.0e+00;
	v1 =	vadd.f32 v6, v1  }
0x4f: {  	[tilespmem:s21+$0x2940] =	vst v3;
	v2 =	vmax.f32 v2, $0.0e+00;
	v0 =	vadd.f32 v63, v0  }
0x50: {  	s20 =	sadd.s32 $0x1, s20;
	[tilespmem:s21+$0x2950] =	vst v2;
	v1 =	vmax.f32 v1, $0.0e+00  }
0x51: {  	p0 =	sne.s32 s20, $0x7D;
	[tilespmem:s21+$0x2960] =	vst v1;
	v0 =	vmax.f32 v0, $0.0e+00  }
.Ltmp1:
0x52: {  	[tilespmem:s21+$0x2970] =	vst v0;
	(pc) =	sbr.rel @p0 .LBB2_2-.Ltmp1, $4  }
0x53: {  	[spmem:s2] =	stream.indirect.scatter.add.f32 [tilespmem:s18], [sflag:$0x2], $0x80, s15, s16, $0xb8;
	[tilespmem:$0x19100] =	vst v63  }
0x54: {  	_ =	swait.ge [sflag:s14], $0x2800  }
0x55: {  	[sflag:s14] =	ssyncset.done $0x0  }
0x56: {  	[sflag:s14] =	ssyncadd.s32 $0xFFFFD800  }
0x57: {  	s3 =	sadd.s32 $0x1, s3  }
0x58: {  	p0 =	sne.s32 s3, s12  }
.Ltmp2:
0x59: {  	[bflag:$0x0] =	sbarrier.arrive $0xFFFF;
	(pc) =	sbr.rel @p0 .LBB2_1-.Ltmp2, $4  }
0x5a: {  	[hbm:s11], [sflag:s10] =	dma.local [spmem:s13], $0x2800  }
0x5b: {  	_ =	swait.ge [sflag:s14], $0x2800  }
0x5c: {  	[sflag:s14] =	ssyncset.done $0x0  }
0x5d: {  	[sflag:s14] =	ssyncadd.s32 $0xFFFFD800  }
0x5e: {  	_ =	sfence.sel $0x180000  }
0x5f: {  	[bflag:$0x0] =	sbarrier.arrive $0xFFFF  }
0x60: {  	p0 =	sne.s32 s1, $0x0;
	_ =	strace $0x90000047  }
0x61: {  	s0 =	sadd.s32 @!p0 $0x100000, s0;
	[bflag:$0x2] =	sbarrier.arrive $0xFFFF  }
0x62: {  	[sflag:s0] =	ssyncadd.tile.s32 @!p0 $0x1;
	_ =	shalt  }
.Lfunc_end2:
_tile_overlayer_lowered:
.L_overlay_start_2:
0x63: {  	(tag) =	ssettag $0x2  }
0x64: {  	s0 =	rddreg [dreg:$0x0];
	s2 =	stileid.u32  }
0x65: {  	s1 =	rddreg [dreg:$0x1];
	p0 =	sne.s32 s2, $0x0  }
0x66: {  	s3 =	rddreg [dreg:$0x2];
	[bflag:$0x3] =	sbarrier.arrive $0xFFFF;
	s2 =	simm.s32 @!p0 $0x1C02  }
0x67: {  	[timem:s3], [sflag:s2] =	dma.local @!p0 [hbm:s0], s1  }
0x68: {  	s0 =	simm.s32 @!p0 $0x2  }
0x69: {  	_ =	swait.ge @!p0 [sflag:s0], s1  }
0x6a: {  	s1 =	ssub.s32 @!p0 $0x0, s1;
	[sflag:s0] =	ssyncset.done @!p0 $0x0  }
0x6b: {  	[sflag:s0] =	ssyncadd.s32 @!p0 s1  }
0x6c: {  	[bflag:$0x3] =	sbarrier.arrive $0xFFFF  }
0x6d: {  	_ =	shalt  }

</sc_bundles>
